<compile_context>
chip_gen: v7x
topology: tpu7x:2x2x1
jax: 0.10.2.dev20260603
libtpu: 0.0.44.dev20260713+nightly
codegen_flags: <defaults>
</compile_context>

<pallas_src>
import functools

import jax
import jax.numpy as jnp
from jax import lax
from jax.experimental import pallas as pl
from jax.experimental.pallas import tpu as pltpu
from jax.experimental.pallas import tpu_sc as plsc

BATCH = 16384
N_FIELDS = 26
EMB = 64
D2 = N_FIELDS * EMB
G = 4
GD = G * EMB
NC, NS = 2, 16
NW = NC * NS
CHUNK = 208
NBUF = 2
B_G_TOT = BATCH * N_FIELDS // G

SC_BATCH = 8192
B_G = SC_BATCH * N_FIELDS // G
BPW = B_G // NW
NCHUNK = BPW // CHUNK
TC_BB = 1024
TC_OFF = SC_BATCH // TC_BB

_mesh = plsc.VectorSubcoreMesh(core_axis_name="c", subcore_axis_name="s")


@functools.partial(
    pl.kernel,
    mesh=_mesh,
    out_type=jax.ShapeDtypeStruct((B_G_TOT, GD), jnp.float32),
    scratch_types=(
        [pltpu.VMEM((BPW,), jnp.int32)]
        + [pltpu.VMEM((CHUNK, GD), jnp.float32) for _ in range(NBUF)]
        + [pltpu.SemaphoreType.DMA for _ in range(2 * NBUF)]
    ),
)
def _sc_embed(table_hbm, idx_hbm, out_hbm, idx_v, *bufs):
    rows = bufs[:NBUF]
    sg = bufs[NBUF:2 * NBUF]
    sw = bufs[2 * NBUF:]
    wid = lax.axis_index("s") * NC + lax.axis_index("c")
    base0 = wid * BPW

    pltpu.sync_copy(idx_hbm.at[pl.ds(base0, BPW)], idx_v)

    def start_gather(k):
        b = k % NBUF
        return pltpu.async_copy(
            table_hbm.at[idx_v.at[pl.ds(k * CHUNK, CHUNK)]],
            rows[b], sg[b])

    def start_write(k):
        b = k % NBUF
        return pltpu.async_copy(
            rows[b], out_hbm.at[pl.ds(base0 + k * CHUNK, CHUNK)],
            sw[b])

    g = {k: start_gather(k) for k in range(NBUF - 1)}
    w = {}
    for k in range(NCHUNK):
        if k + NBUF - 1 < NCHUNK:
            if k >= 1:
                w[k - 1].wait()
            g[k + NBUF - 1] = start_gather(k + NBUF - 1)
        g[k].wait()
        w[k] = start_write(k)
    for k in range(max(0, NCHUNK - NBUF), NCHUNK):
        w[k].wait()


def _tc_body(ind_ref, e_ref, difft_ref, w0t_ref, buf_ref, out_ref):
    del buf_ref
    indf = ind_ref[...].astype(jnp.float32)
    rep = jnp.dot(indf, e_ref[...], preferred_element_type=jnp.float32)
    out_ref[...] = rep * difft_ref[...] + w0t_ref[...]


def kernel(ind, ind_emb_weight):
    w = ind_emb_weight
    ind32 = ind.astype(jnp.int32)

    e16 = jnp.arange(2 ** G)
    gtab = jnp.concatenate(
        [w[(e16 >> (G - 1 - j)) & 1] for j in range(G)], axis=1)
    gtab = jnp.tile(gtab, (NW, 1))
    idx = ind32[:SC_BATCH].reshape(B_G, G)
    gidx = jnp.zeros((B_G,), jnp.int32)
    for j in range(G):
        gidx = gidx * 2 + idx[:, j]
    gidx = gidx + (2 ** G) * (jnp.arange(B_G, dtype=jnp.int32) // BPW)
    big = _sc_embed(gtab, gidx).reshape(BATCH, D2)

    expand = jnp.einsum(
        "fg,d->fgd", jnp.eye(N_FIELDS, dtype=jnp.float32),
        jnp.ones((EMB,), jnp.float32)).reshape(N_FIELDS, D2)
    difft = jnp.tile(w[1] - w[0], (1, N_FIELDS)).reshape(1, D2)
    w0t = jnp.tile(w[0], (1, N_FIELDS)).reshape(1, D2)
    out = pl.pallas_call(
        _tc_body,
        grid=((BATCH - SC_BATCH) // TC_BB,),
        in_specs=[
            pl.BlockSpec((TC_BB, N_FIELDS), lambda i: (i + TC_OFF, 0)),
            pl.BlockSpec((N_FIELDS, D2), lambda i: (0, 0)),
            pl.BlockSpec((1, D2), lambda i: (0, 0)),
            pl.BlockSpec((1, D2), lambda i: (0, 0)),
            pl.BlockSpec(memory_space=pl.ANY),
        ],
        out_specs=pl.BlockSpec((TC_BB, D2), lambda i: (i + TC_OFF, 0)),
        out_shape=jax.ShapeDtypeStruct((BATCH, D2), jnp.float32),
        input_output_aliases={4: 0},
    )(ind32, expand, difft, w0t, big)

    return out.reshape(BATCH, N_FIELDS, EMB)

# --- scband reference (transcript-rebuilt; emitter-appended) ---
"""Pipeline reference for scband-ind-embedding-44659069943954 (READ-ONLY COPY).

The authoritative reference and input builder live on the scoring server;
editing this copy changes nothing except your own understanding.
"""

import jax, jax.numpy as jnp
import numpy as np

EMB_DIM = 64
BATCH = 16384
N_FIELDS = 26

def setup_inputs(seed: int = 0) -> dict:
    key = jax.random.key(seed)
    k1, k2 = jax.random.split(key)
    # x_table['ind'] : int64 indicator indices in {0,1}
    ind = jax.random.randint(k1, (BATCH, N_FIELDS), 0, 2, dtype=jnp.int64)
    # nn.Embedding(2, emb_conf.ind_emb) weight, default N(0,1) init
    ind_emb_weight = jax.random.normal(k2, (2, EMB_DIM), dtype=jnp.float32)
    return {"ind": ind, "ind_emb_weight": ind_emb_weight}

def reference(ind, ind_emb_weight):
    # faithful translation of: self.ind_emb(x_table['ind'])
    ind_embs = jnp.take(ind_emb_weight, ind, axis=0)
    return ind_embs

if __name__ == "__main__":
    import jax
    _d = setup_inputs()
    print(jax.jit(kernel)(*tuple(_d.values())))

</pallas_src>

<mosaic_0001>
#map = affine_map<(d0, d1) -> (0, 0)>
#map1 = affine_map<(d0, d1) -> (0)>
module attributes {stable_mosaic.version = 14 : i64} {
  func.func @_sc_embed(%arg0: i32, %arg1: i32, %arg2: memref<512x256xf32, #tpu.memory_space<hbm>>, %arg3: memref<53248xi32, #tpu.memory_space<hbm>>, %arg4: memref<106496x256xf32, #tpu.memory_space<hbm>>, %arg5: memref<1664xi32, #tpu.memory_space<vmem>>, %arg6: memref<208x256xf32, #tpu.memory_space<vmem>>, %arg7: memref<208x256xf32, #tpu.memory_space<vmem>>, %arg8: memref<!tpu.dma_semaphore, #tpu.memory_space<semaphore_mem>>, %arg9: memref<!tpu.dma_semaphore, #tpu.memory_space<semaphore_mem>>, %arg10: memref<!tpu.dma_semaphore, #tpu.memory_space<semaphore_mem>>, %arg11: memref<!tpu.dma_semaphore, #tpu.memory_space<semaphore_mem>>) attributes {dimension_semantics = [#tpu.dimension_semantics<core_parallel>, #tpu.dimension_semantics<subcore_parallel>], iteration_bounds = array<i64: 2, 16>, scalar_prefetch = 0 : i64, scratch_operands = 7 : i64, tpu.core_type = #tpu.core_type<sc_vector_subcore>, window_params = [{transform_indices = #map}, {transform_indices = #map1}, {transform_indices = #map}]} {
    %mul3A = arith.constant 2 : i32
    %mul3A_0 = arith.muli %arg1, %mul3A : i32
    %add3A = arith.addi %mul3A_0, %arg0 : i32
    %mul3A_1 = arith.constant 1664 : i32
    %mul3A_2 = arith.muli %add3A, %mul3A_1 : i32
    "tpu.region"() ({
      %run_scoped3A = tpu.sem_alloc : memref<!tpu.dma_semaphore, #tpu.memory_space<semaphore_mem>>
      %dma_start3A_161 = tpu.memref_slice %arg3[%mul3A_2] : memref<53248xi32, #tpu.memory_space<hbm>> -> memref<1664xi32, #tpu.memory_space<hbm>>
      %dma_start3A_162 = tpu.memref_slice %arg3[%mul3A_2] : memref<53248xi32, #tpu.memory_space<hbm>> -> memref<1664xi32, #tpu.memory_space<hbm>>
      tpu.enqueue_dma source(%dma_start3A_162 : memref<1664xi32, #tpu.memory_space<hbm>>) target(%arg5 : memref<1664xi32, #tpu.memory_space<vmem>>) target_semaphore(%run_scoped3A : memref<!tpu.dma_semaphore, #tpu.memory_space<semaphore_mem>>)
      %dma_wait3A_163 = tpu.memref_slice %arg3[%mul3A_2] : memref<53248xi32, #tpu.memory_space<hbm>> -> memref<1664xi32, #tpu.memory_space<hbm>>
      %dma_wait3A_164 = tpu.memref_slice %arg3[%mul3A_2] : memref<53248xi32, #tpu.memory_space<hbm>> -> memref<1664xi32, #tpu.memory_space<hbm>>
      tpu.wait_dma2 semaphore(%run_scoped3A : memref<!tpu.dma_semaphore, #tpu.memory_space<semaphore_mem>>) src(%dma_wait3A_164 : memref<1664xi32, #tpu.memory_space<hbm>>) dst(%arg5 : memref<1664xi32, #tpu.memory_space<vmem>>)
      tpu.yield
    }) : () -> ()
    %dma_start3A = arith.constant 0 : i32
    %dma_start3A_3 = tpu.memref_slice %arg5[%dma_start3A] : memref<1664xi32, #tpu.memory_space<vmem>> -> memref<208xi32, #tpu.memory_space<vmem>>
    %dma_start3A_4 = arith.constant 0 : i32
    %dma_start3A_5 = arith.constant 0 : i32
    %dma_start3A_6 = tpu.memref_slice %arg2[%dma_start3A_4, %dma_start3A_5] : memref<512x256xf32, #tpu.memory_space<hbm>> -> memref<512x256xf32, #tpu.memory_space<hbm>>
    tpu.enqueue_indirect_dma source(%dma_start3A_6 : memref<512x256xf32, #tpu.memory_space<hbm>>) target(%arg6 : memref<208x256xf32, #tpu.memory_space<vmem>>) offsets(%dma_start3A_3 : memref<208xi32, #tpu.memory_space<vmem>>) semaphore(%arg8 : memref<!tpu.dma_semaphore, #tpu.memory_space<semaphore_mem>>)
    %dma_start3A_7 = arith.constant 208 : i32
    %dma_start3A_8 = tpu.memref_slice %arg5[%dma_start3A_7] : memref<1664xi32, #tpu.memory_space<vmem>> -> memref<208xi32, #tpu.memory_space<vmem>>
    %dma_start3A_9 = arith.constant 0 : i32
    %dma_start3A_10 = arith.constant 0 : i32
    %dma_start3A_11 = tpu.memref_slice %arg2[%dma_start3A_9, %dma_start3A_10] : memref<512x256xf32, #tpu.memory_space<hbm>> -> memref<512x256xf32, #tpu.memory_space<hbm>>
    tpu.enqueue_indirect_dma source(%dma_start3A_11 : memref<512x256xf32, #tpu.memory_space<hbm>>) target(%arg7 : memref<208x256xf32, #tpu.memory_space<vmem>>) offsets(%dma_start3A_8 : memref<208xi32, #tpu.memory_space<vmem>>) semaphore(%arg9 : memref<!tpu.dma_semaphore, #tpu.memory_space<semaphore_mem>>)
    %dma_wait3A = arith.constant 0 : i32
    %dma_wait3A_12 = tpu.memref_slice %arg5[%dma_wait3A] : memref<1664xi32, #tpu.memory_space<vmem>> -> memref<208xi32, #tpu.memory_space<vmem>>
    %dma_wait3A_13 = arith.constant 0 : i32
    %dma_wait3A_14 = arith.constant 0 : i32
    %dma_wait3A_15 = tpu.memref_slice %arg2[%dma_wait3A_13, %dma_wait3A_14] : memref<512x256xf32, #tpu.memory_space<hbm>> -> memref<512x256xf32, #tpu.memory_space<hbm>>
    tpu.wait_indirect_dma semaphore(%arg8 : memref<!tpu.dma_semaphore, #tpu.memory_space<semaphore_mem>>) src(%dma_wait3A_15 : memref<512x256xf32, #tpu.memory_space<hbm>>) dst(%arg6 : memref<208x256xf32, #tpu.memory_space<vmem>>)
    %add3A_16 = arith.constant 0 : i32
    %add3A_17 = arith.addi %mul3A_2, %add3A_16 : i32
    %dma_start3A_18 = arith.constant 0 : i32
    %dma_start3A_19 = tpu.memref_slice %arg4[%add3A_17, %dma_start3A_18] : memref<106496x256xf32, #tpu.memory_space<hbm>> -> memref<208x256xf32, #tpu.memory_space<hbm>>
    %dma_start3A_20 = arith.constant 0 : i32
    %dma_start3A_21 = tpu.memref_slice %arg4[%add3A_17, %dma_start3A_20] : memref<106496x256xf32, #tpu.memory_space<hbm>> -> memref<208x256xf32, #tpu.memory_space<hbm>>
    tpu.enqueue_dma source(%arg6 : memref<208x256xf32, #tpu.memory_space<vmem>>) target(%dma_start3A_21 : memref<208x256xf32, #tpu.memory_space<hbm>>) target_semaphore(%arg10 : memref<!tpu.dma_semaphore, #tpu.memory_space<semaphore_mem>>)
    %dma_wait3A_22 = arith.constant 0 : i32
    %dma_wait3A_23 = tpu.memref_slice %arg4[%add3A_17, %dma_wait3A_22] : memref<106496x256xf32, #tpu.memory_space<hbm>> -> memref<208x256xf32, #tpu.memory_space<hbm>>
    %dma_wait3A_24 = arith.constant 0 : i32
    %dma_wait3A_25 = tpu.memref_slice %arg4[%add3A_17, %dma_wait3A_24] : memref<106496x256xf32, #tpu.memory_space<hbm>> -> memref<208x256xf32, #tpu.memory_space<hbm>>
    tpu.wait_dma2 semaphore(%arg10 : memref<!tpu.dma_semaphore, #tpu.memory_space<semaphore_mem>>) src(%arg6 : memref<208x256xf32, #tpu.memory_space<vmem>>) dst(%dma_wait3A_25 : memref<208x256xf32, #tpu.memory_space<hbm>>)
    %dma_start3A_26 = arith.constant 416 : i32
    %dma_start3A_27 = tpu.memref_slice %arg5[%dma_start3A_26] : memref<1664xi32, #tpu.memory_space<vmem>> -> memref<208xi32, #tpu.memory_space<vmem>>
    %dma_start3A_28 = arith.constant 0 : i32
    %dma_start3A_29 = arith.constant 0 : i32
    %dma_start3A_30 = tpu.memref_slice %arg2[%dma_start3A_28, %dma_start3A_29] : memref<512x256xf32, #tpu.memory_space<hbm>> -> memref<512x256xf32, #tpu.memory_space<hbm>>
    tpu.enqueue_indirect_dma source(%dma_start3A_30 : memref<512x256xf32, #tpu.memory_space<hbm>>) target(%arg6 : memref<208x256xf32, #tpu.memory_space<vmem>>) offsets(%dma_start3A_27 : memref<208xi32, #tpu.memory_space<vmem>>) semaphore(%arg8 : memref<!tpu.dma_semaphore, #tpu.memory_space<semaphore_mem>>)
    %dma_wait3A_31 = arith.constant 208 : i32
    %dma_wait3A_32 = tpu.memref_slice %arg5[%dma_wait3A_31] : memref<1664xi32, #tpu.memory_space<vmem>> -> memref<208xi32, #tpu.memory_space<vmem>>
    %dma_wait3A_33 = arith.constant 0 : i32
    %dma_wait3A_34 = arith.constant 0 : i32
    %dma_wait3A_35 = tpu.memref_slice %arg2[%dma_wait3A_33, %dma_wait3A_34] : memref<512x256xf32, #tpu.memory_space<hbm>> -> memref<512x256xf32, #tpu.memory_space<hbm>>
    tpu.wait_indirect_dma semaphore(%arg9 : memref<!tpu.dma_semaphore, #tpu.memory_space<semaphore_mem>>) src(%dma_wait3A_35 : memref<512x256xf32, #tpu.memory_space<hbm>>) dst(%arg7 : memref<208x256xf32, #tpu.memory_space<vmem>>)
    %add3A_36 = arith.constant 208 : i32
    %add3A_37 = arith.addi %mul3A_2, %add3A_36 : i32
    %dma_start3A_38 = arith.constant 0 : i32
    %dma_start3A_39 = tpu.memref_slice %arg4[%add3A_37, %dma_start3A_38] : memref<106496x256xf32, #tpu.memory_space<hbm>> -> memref<208x256xf32, #tpu.memory_space<hbm>>
    %dma_start3A_40 = arith.constant 0 : i32
    %dma_start3A_41 = tpu.memref_slice %arg4[%add3A_37, %dma_start3A_40] : memref<106496x256xf32, #tpu.memory_space<hbm>> -> memref<208x256xf32, #tpu.memory_space<hbm>>
    tpu.enqueue_dma source(%arg7 : memref<208x256xf32, #tpu.memory_space<vmem>>) target(%dma_start3A_41 : memref<208x256xf32, #tpu.memory_space<hbm>>) target_semaphore(%arg11 : memref<!tpu.dma_semaphore, #tpu.memory_space<semaphore_mem>>)
    %dma_wait3A_42 = arith.constant 0 : i32
    %dma_wait3A_43 = tpu.memref_slice %arg4[%add3A_37, %dma_wait3A_42] : memref<106496x256xf32, #tpu.memory_space<hbm>> -> memref<208x256xf32, #tpu.memory_space<hbm>>
    %dma_wait3A_44 = arith.constant 0 : i32
    %dma_wait3A_45 = tpu.memref_slice %arg4[%add3A_37, %dma_wait3A_44] : memref<106496x256xf32, #tpu.memory_space<hbm>> -> memref<208x256xf32, #tpu.memory_space<hbm>>
    tpu.wait_dma2 semaphore(%arg11 : memref<!tpu.dma_semaphore, #tpu.memory_space<semaphore_mem>>) src(%arg7 : memref<208x256xf32, #tpu.memory_space<vmem>>) dst(%dma_wait3A_45 : memref<208x256xf32, #tpu.memory_space<hbm>>)
    %dma_start3A_46 = arith.constant 624 : i32
    %dma_start3A_47 = tpu.memref_slice %arg5[%dma_start3A_46] : memref<1664xi32, #tpu.memory_space<vmem>> -> memref<208xi32, #tpu.memory_space<vmem>>
    %dma_start3A_48 = arith.constant 0 : i32
    %dma_start3A_49 = arith.constant 0 : i32
    %dma_start3A_50 = tpu.memref_slice %arg2[%dma_start3A_48, %dma_start3A_49] : memref<512x256xf32, #tpu.memory_space<hbm>> -> memref<512x256xf32, #tpu.memory_space<hbm>>
    tpu.enqueue_indirect_dma source(%dma_start3A_50 : memref<512x256xf32, #tpu.memory_space<hbm>>) target(%arg7 : memref<208x256xf32, #tpu.memory_space<vmem>>) offsets(%dma_start3A_47 : memref<208xi32, #tpu.memory_space<vmem>>) semaphore(%arg9 : memref<!tpu.dma_semaphore, #tpu.memory_space<semaphore_mem>>)
    %dma_wait3A_51 = arith.constant 416 : i32
    %dma_wait3A_52 = tpu.memref_slice %arg5[%dma_wait3A_51] : memref<1664xi32, #tpu.memory_space<vmem>> -> memref<208xi32, #tpu.memory_space<vmem>>
    %dma_wait3A_53 = arith.constant 0 : i32
    %dma_wait3A_54 = arith.constant 0 : i32
    %dma_wait3A_55 = tpu.memref_slice %arg2[%dma_wait3A_53, %dma_wait3A_54] : memref<512x256xf32, #tpu.memory_space<hbm>> -> memref<512x256xf32, #tpu.memory_space<hbm>>
    tpu.wait_indirect_dma semaphore(%arg8 : memref<!tpu.dma_semaphore, #tpu.memory_space<semaphore_mem>>) src(%dma_wait3A_55 : memref<512x256xf32, #tpu.memory_space<hbm>>) dst(%arg6 : memref<208x256xf32, #tpu.memory_space<vmem>>)
    %add3A_56 = arith.constant 416 : i32
    %add3A_57 = arith.addi %mul3A_2, %add3A_56 : i32
    %dma_start3A_58 = arith.constant 0 : i32
    %dma_start3A_59 = tpu.memref_slice %arg4[%add3A_57, %dma_start3A_58] : memref<106496x256xf32, #tpu.memory_space<hbm>> -> memref<208x256xf32, #tpu.memory_space<hbm>>
    %dma_start3A_60 = arith.constant 0 : i32
    %dma_start3A_61 = tpu.memref_slice %arg4[%add3A_57, %dma_start3A_60] : memref<106496x256xf32, #tpu.memory_space<hbm>> -> memref<208x256xf32, #tpu.memory_space<hbm>>
    tpu.enqueue_dma source(%arg6 : memref<208x256xf32, #tpu.memory_space<vmem>>) target(%dma_start3A_61 : memref<208x256xf32, #tpu.memory_space<hbm>>) target_semaphore(%arg10 : memref<!tpu.dma_semaphore, #tpu.memory_space<semaphore_mem>>)
    %dma_wait3A_62 = arith.constant 0 : i32
    %dma_wait3A_63 = tpu.memref_slice %arg4[%add3A_57, %dma_wait3A_62] : memref<106496x256xf32, #tpu.memory_space<hbm>> -> memref<208x256xf32, #tpu.memory_space<hbm>>
    %dma_wait3A_64 = arith.constant 0 : i32
    %dma_wait3A_65 = tpu.memref_slice %arg4[%add3A_57, %dma_wait3A_64] : memref<106496x256xf32, #tpu.memory_space<hbm>> -> memref<208x256xf32, #tpu.memory_space<hbm>>
    tpu.wait_dma2 semaphore(%arg10 : memref<!tpu.dma_semaphore, #tpu.memory_space<semaphore_mem>>) src(%arg6 : memref<208x256xf32, #tpu.memory_space<vmem>>) dst(%dma_wait3A_65 : memref<208x256xf32, #tpu.memory_space<hbm>>)
    %dma_start3A_66 = arith.constant 832 : i32
    %dma_start3A_67 = tpu.memref_slice %arg5[%dma_start3A_66] : memref<1664xi32, #tpu.memory_space<vmem>> -> memref<208xi32, #tpu.memory_space<vmem>>
    %dma_start3A_68 = arith.constant 0 : i32
    %dma_start3A_69 = arith.constant 0 : i32
    %dma_start3A_70 = tpu.memref_slice %arg2[%dma_start3A_68, %dma_start3A_69] : memref<512x256xf32, #tpu.memory_space<hbm>> -> memref<512x256xf32, #tpu.memory_space<hbm>>
    tpu.enqueue_indirect_dma source(%dma_start3A_70 : memref<512x256xf32, #tpu.memory_space<hbm>>) target(%arg6 : memref<208x256xf32, #tpu.memory_space<vmem>>) offsets(%dma_start3A_67 : memref<208xi32, #tpu.memory_space<vmem>>) semaphore(%arg8 : memref<!tpu.dma_semaphore, #tpu.memory_space<semaphore_mem>>)
    %dma_wait3A_71 = arith.constant 624 : i32
    %dma_wait3A_72 = tpu.memref_slice %arg5[%dma_wait3A_71] : memref<1664xi32, #tpu.memory_space<vmem>> -> memref<208xi32, #tpu.memory_space<vmem>>
    %dma_wait3A_73 = arith.constant 0 : i32
    %dma_wait3A_74 = arith.constant 0 : i32
    %dma_wait3A_75 = tpu.memref_slice %arg2[%dma_wait3A_73, %dma_wait3A_74] : memref<512x256xf32, #tpu.memory_space<hbm>> -> memref<512x256xf32, #tpu.memory_space<hbm>>
    tpu.wait_indirect_dma semaphore(%arg9 : memref<!tpu.dma_semaphore, #tpu.memory_space<semaphore_mem>>) src(%dma_wait3A_75 : memref<512x256xf32, #tpu.memory_space<hbm>>) dst(%arg7 : memref<208x256xf32, #tpu.memory_space<vmem>>)
    %add3A_76 = arith.constant 624 : i32
    %add3A_77 = arith.addi %mul3A_2, %add3A_76 : i32
    %dma_start3A_78 = arith.constant 0 : i32
    %dma_start3A_79 = tpu.memref_slice %arg4[%add3A_77, %dma_start3A_78] : memref<106496x256xf32, #tpu.memory_space<hbm>> -> memref<208x256xf32, #tpu.memory_space<hbm>>
    %dma_start3A_80 = arith.constant 0 : i32
    %dma_start3A_81 = tpu.memref_slice %arg4[%add3A_77, %dma_start3A_80] : memref<106496x256xf32, #tpu.memory_space<hbm>> -> memref<208x256xf32, #tpu.memory_space<hbm>>
    tpu.enqueue_dma source(%arg7 : memref<208x256xf32, #tpu.memory_space<vmem>>) target(%dma_start3A_81 : memref<208x256xf32, #tpu.memory_space<hbm>>) target_semaphore(%arg11 : memref<!tpu.dma_semaphore, #tpu.memory_space<semaphore_mem>>)
    %dma_wait3A_82 = arith.constant 0 : i32
    %dma_wait3A_83 = tpu.memref_slice %arg4[%add3A_77, %dma_wait3A_82] : memref<106496x256xf32, #tpu.memory_space<hbm>> -> memref<208x256xf32, #tpu.memory_space<hbm>>
    %dma_wait3A_84 = arith.constant 0 : i32
    %dma_wait3A_85 = tpu.memref_slice %arg4[%add3A_77, %dma_wait3A_84] : memref<106496x256xf32, #tpu.memory_space<hbm>> -> memref<208x256xf32, #tpu.memory_space<hbm>>
    tpu.wait_dma2 semaphore(%arg11 : memref<!tpu.dma_semaphore, #tpu.memory_space<semaphore_mem>>) src(%arg7 : memref<208x256xf32, #tpu.memory_space<vmem>>) dst(%dma_wait3A_85 : memref<208x256xf32, #tpu.memory_space<hbm>>)
    %dma_start3A_86 = arith.constant 1040 : i32
    %dma_start3A_87 = tpu.memref_slice %arg5[%dma_start3A_86] : memref<1664xi32, #tpu.memory_space<vmem>> -> memref<208xi32, #tpu.memory_space<vmem>>
    %dma_start3A_88 = arith.constant 0 : i32
    %dma_start3A_89 = arith.constant 0 : i32
    %dma_start3A_90 = tpu.memref_slice %arg2[%dma_start3A_88, %dma_start3A_89] : memref<512x256xf32, #tpu.memory_space<hbm>> -> memref<512x256xf32, #tpu.memory_space<hbm>>
    tpu.enqueue_indirect_dma source(%dma_start3A_90 : memref<512x256xf32, #tpu.memory_space<hbm>>) target(%arg7 : memref<208x256xf32, #tpu.memory_space<vmem>>) offsets(%dma_start3A_87 : memref<208xi32, #tpu.memory_space<vmem>>) semaphore(%arg9 : memref<!tpu.dma_semaphore, #tpu.memory_space<semaphore_mem>>)
    %dma_wait3A_91 = arith.constant 832 : i32
    %dma_wait3A_92 = tpu.memref_slice %arg5[%dma_wait3A_91] : memref<1664xi32, #tpu.memory_space<vmem>> -> memref<208xi32, #tpu.memory_space<vmem>>
    %dma_wait3A_93 = arith.constant 0 : i32
    %dma_wait3A_94 = arith.constant 0 : i32
    %dma_wait3A_95 = tpu.memref_slice %arg2[%dma_wait3A_93, %dma_wait3A_94] : memref<512x256xf32, #tpu.memory_space<hbm>> -> memref<512x256xf32, #tpu.memory_space<hbm>>
    tpu.wait_indirect_dma semaphore(%arg8 : memref<!tpu.dma_semaphore, #tpu.memory_space<semaphore_mem>>) src(%dma_wait3A_95 : memref<512x256xf32, #tpu.memory_space<hbm>>) dst(%arg6 : memref<208x256xf32, #tpu.memory_space<vmem>>)
    %add3A_96 = arith.constant 832 : i32
    %add3A_97 = arith.addi %mul3A_2, %add3A_96 : i32
    %dma_start3A_98 = arith.constant 0 : i32
    %dma_start3A_99 = tpu.memref_slice %arg4[%add3A_97, %dma_start3A_98] : memref<106496x256xf32, #tpu.memory_space<hbm>> -> memref<208x256xf32, #tpu.memory_space<hbm>>
    %dma_start3A_100 = arith.constant 0 : i32
    %dma_start3A_101 = tpu.memref_slice %arg4[%add3A_97, %dma_start3A_100] : memref<106496x256xf32, #tpu.memory_space<hbm>> -> memref<208x256xf32, #tpu.memory_space<hbm>>
    tpu.enqueue_dma source(%arg6 : memref<208x256xf32, #tpu.memory_space<vmem>>) target(%dma_start3A_101 : memref<208x256xf32, #tpu.memory_space<hbm>>) target_semaphore(%arg10 : memref<!tpu.dma_semaphore, #tpu.memory_space<semaphore_mem>>)
    %dma_wait3A_102 = arith.constant 0 : i32
    %dma_wait3A_103 = tpu.memref_slice %arg4[%add3A_97, %dma_wait3A_102] : memref<106496x256xf32, #tpu.memory_space<hbm>> -> memref<208x256xf32, #tpu.memory_space<hbm>>
    %dma_wait3A_104 = arith.constant 0 : i32
    %dma_wait3A_105 = tpu.memref_slice %arg4[%add3A_97, %dma_wait3A_104] : memref<106496x256xf32, #tpu.memory_space<hbm>> -> memref<208x256xf32, #tpu.memory_space<hbm>>
    tpu.wait_dma2 semaphore(%arg10 : memref<!tpu.dma_semaphore, #tpu.memory_space<semaphore_mem>>) src(%arg6 : memref<208x256xf32, #tpu.memory_space<vmem>>) dst(%dma_wait3A_105 : memref<208x256xf32, #tpu.memory_space<hbm>>)
    %dma_start3A_106 = arith.constant 1248 : i32
    %dma_start3A_107 = tpu.memref_slice %arg5[%dma_start3A_106] : memref<1664xi32, #tpu.memory_space<vmem>> -> memref<208xi32, #tpu.memory_space<vmem>>
    %dma_start3A_108 = arith.constant 0 : i32
    %dma_start3A_109 = arith.constant 0 : i32
    %dma_start3A_110 = tpu.memref_slice %arg2[%dma_start3A_108, %dma_start3A_109] : memref<512x256xf32, #tpu.memory_space<hbm>> -> memref<512x256xf32, #tpu.memory_space<hbm>>
    tpu.enqueue_indirect_dma source(%dma_start3A_110 : memref<512x256xf32, #tpu.memory_space<hbm>>) target(%arg6 : memref<208x256xf32, #tpu.memory_space<vmem>>) offsets(%dma_start3A_107 : memref<208xi32, #tpu.memory_space<vmem>>) semaphore(%arg8 : memref<!tpu.dma_semaphore, #tpu.memory_space<semaphore_mem>>)
    %dma_wait3A_111 = arith.constant 1040 : i32
    %dma_wait3A_112 = tpu.memref_slice %arg5[%dma_wait3A_111] : memref<1664xi32, #tpu.memory_space<vmem>> -> memref<208xi32, #tpu.memory_space<vmem>>
    %dma_wait3A_113 = arith.constant 0 : i32
    %dma_wait3A_114 = arith.constant 0 : i32
    %dma_wait3A_115 = tpu.memref_slice %arg2[%dma_wait3A_113, %dma_wait3A_114] : memref<512x256xf32, #tpu.memory_space<hbm>> -> memref<512x256xf32, #tpu.memory_space<hbm>>
    tpu.wait_indirect_dma semaphore(%arg9 : memref<!tpu.dma_semaphore, #tpu.memory_space<semaphore_mem>>) src(%dma_wait3A_115 : memref<512x256xf32, #tpu.memory_space<hbm>>) dst(%arg7 : memref<208x256xf32, #tpu.memory_space<vmem>>)
    %add3A_116 = arith.constant 1040 : i32
    %add3A_117 = arith.addi %mul3A_2, %add3A_116 : i32
    %dma_start3A_118 = arith.constant 0 : i32
    %dma_start3A_119 = tpu.memref_slice %arg4[%add3A_117, %dma_start3A_118] : memref<106496x256xf32, #tpu.memory_space<hbm>> -> memref<208x256xf32, #tpu.memory_space<hbm>>
    %dma_start3A_120 = arith.constant 0 : i32
    %dma_start3A_121 = tpu.memref_slice %arg4[%add3A_117, %dma_start3A_120] : memref<106496x256xf32, #tpu.memory_space<hbm>> -> memref<208x256xf32, #tpu.memory_space<hbm>>
    tpu.enqueue_dma source(%arg7 : memref<208x256xf32, #tpu.memory_space<vmem>>) target(%dma_start3A_121 : memref<208x256xf32, #tpu.memory_space<hbm>>) target_semaphore(%arg11 : memref<!tpu.dma_semaphore, #tpu.memory_space<semaphore_mem>>)
    %dma_wait3A_122 = arith.constant 0 : i32
    %dma_wait3A_123 = tpu.memref_slice %arg4[%add3A_117, %dma_wait3A_122] : memref<106496x256xf32, #tpu.memory_space<hbm>> -> memref<208x256xf32, #tpu.memory_space<hbm>>
    %dma_wait3A_124 = arith.constant 0 : i32
    %dma_wait3A_125 = tpu.memref_slice %arg4[%add3A_117, %dma_wait3A_124] : memref<106496x256xf32, #tpu.memory_space<hbm>> -> memref<208x256xf32, #tpu.memory_space<hbm>>
    tpu.wait_dma2 semaphore(%arg11 : memref<!tpu.dma_semaphore, #tpu.memory_space<semaphore_mem>>) src(%arg7 : memref<208x256xf32, #tpu.memory_space<vmem>>) dst(%dma_wait3A_125 : memref<208x256xf32, #tpu.memory_space<hbm>>)
    %dma_start3A_126 = arith.constant 1456 : i32
    %dma_start3A_127 = tpu.memref_slice %arg5[%dma_start3A_126] : memref<1664xi32, #tpu.memory_space<vmem>> -> memref<208xi32, #tpu.memory_space<vmem>>
    %dma_start3A_128 = arith.constant 0 : i32
    %dma_start3A_129 = arith.constant 0 : i32
    %dma_start3A_130 = tpu.memref_slice %arg2[%dma_start3A_128, %dma_start3A_129] : memref<512x256xf32, #tpu.memory_space<hbm>> -> memref<512x256xf32, #tpu.memory_space<hbm>>
    tpu.enqueue_indirect_dma source(%dma_start3A_130 : memref<512x256xf32, #tpu.memory_space<hbm>>) target(%arg7 : memref<208x256xf32, #tpu.memory_space<vmem>>) offsets(%dma_start3A_127 : memref<208xi32, #tpu.memory_space<vmem>>) semaphore(%arg9 : memref<!tpu.dma_semaphore, #tpu.memory_space<semaphore_mem>>)
    %dma_wait3A_131 = arith.constant 1248 : i32
    %dma_wait3A_132 = tpu.memref_slice %arg5[%dma_wait3A_131] : memref<1664xi32, #tpu.memory_space<vmem>> -> memref<208xi32, #tpu.memory_space<vmem>>
    %dma_wait3A_133 = arith.constant 0 : i32
    %dma_wait3A_134 = arith.constant 0 : i32
    %dma_wait3A_135 = tpu.memref_slice %arg2[%dma_wait3A_133, %dma_wait3A_134] : memref<512x256xf32, #tpu.memory_space<hbm>> -> memref<512x256xf32, #tpu.memory_space<hbm>>
    tpu.wait_indirect_dma semaphore(%arg8 : memref<!tpu.dma_semaphore, #tpu.memory_space<semaphore_mem>>) src(%dma_wait3A_135 : memref<512x256xf32, #tpu.memory_space<hbm>>) dst(%arg6 : memref<208x256xf32, #tpu.memory_space<vmem>>)
    %add3A_136 = arith.constant 1248 : i32
    %add3A_137 = arith.addi %mul3A_2, %add3A_136 : i32
    %dma_start3A_138 = arith.constant 0 : i32
    %dma_start3A_139 = tpu.memref_slice %arg4[%add3A_137, %dma_start3A_138] : memref<106496x256xf32, #tpu.memory_space<hbm>> -> memref<208x256xf32, #tpu.memory_space<hbm>>
    %dma_start3A_140 = arith.constant 0 : i32
    %dma_start3A_141 = tpu.memref_slice %arg4[%add3A_137, %dma_start3A_140] : memref<106496x256xf32, #tpu.memory_space<hbm>> -> memref<208x256xf32, #tpu.memory_space<hbm>>
    tpu.enqueue_dma source(%arg6 : memref<208x256xf32, #tpu.memory_space<vmem>>) target(%dma_start3A_141 : memref<208x256xf32, #tpu.memory_space<hbm>>) target_semaphore(%arg10 : memref<!tpu.dma_semaphore, #tpu.memory_space<semaphore_mem>>)
    %dma_wait3A_142 = arith.constant 1456 : i32
    %dma_wait3A_143 = tpu.memref_slice %arg5[%dma_wait3A_142] : memref<1664xi32, #tpu.memory_space<vmem>> -> memref<208xi32, #tpu.memory_space<vmem>>
    %dma_wait3A_144 = arith.constant 0 : i32
    %dma_wait3A_145 = arith.constant 0 : i32
    %dma_wait3A_146 = tpu.memref_slice %arg2[%dma_wait3A_144, %dma_wait3A_145] : memref<512x256xf32, #tpu.memory_space<hbm>> -> memref<512x256xf32, #tpu.memory_space<hbm>>
    tpu.wait_indirect_dma semaphore(%arg9 : memref<!tpu.dma_semaphore, #tpu.memory_space<semaphore_mem>>) src(%dma_wait3A_146 : memref<512x256xf32, #tpu.memory_space<hbm>>) dst(%arg7 : memref<208x256xf32, #tpu.memory_space<vmem>>)
    %add3A_147 = arith.constant 1456 : i32
    %add3A_148 = arith.addi %mul3A_2, %add3A_147 : i32
    %dma_start3A_149 = arith.constant 0 : i32
    %dma_start3A_150 = tpu.memref_slice %arg4[%add3A_148, %dma_start3A_149] : memref<106496x256xf32, #tpu.memory_space<hbm>> -> memref<208x256xf32, #tpu.memory_space<hbm>>
    %dma_start3A_151 = arith.constant 0 : i32
    %dma_start3A_152 = tpu.memref_slice %arg4[%add3A_148, %dma_start3A_151] : memref<106496x256xf32, #tpu.memory_space<hbm>> -> memref<208x256xf32, #tpu.memory_space<hbm>>
    tpu.enqueue_dma source(%arg7 : memref<208x256xf32, #tpu.memory_space<vmem>>) target(%dma_start3A_152 : memref<208x256xf32, #tpu.memory_space<hbm>>) target_semaphore(%arg11 : memref<!tpu.dma_semaphore, #tpu.memory_space<semaphore_mem>>)
    %dma_wait3A_153 = arith.constant 0 : i32
    %dma_wait3A_154 = tpu.memref_slice %arg4[%add3A_137, %dma_wait3A_153] : memref<106496x256xf32, #tpu.memory_space<hbm>> -> memref<208x256xf32, #tpu.memory_space<hbm>>
    %dma_wait3A_155 = arith.constant 0 : i32
    %dma_wait3A_156 = tpu.memref_slice %arg4[%add3A_137, %dma_wait3A_155] : memref<106496x256xf32, #tpu.memory_space<hbm>> -> memref<208x256xf32, #tpu.memory_space<hbm>>
    tpu.wait_dma2 semaphore(%arg10 : memref<!tpu.dma_semaphore, #tpu.memory_space<semaphore_mem>>) src(%arg6 : memref<208x256xf32, #tpu.memory_space<vmem>>) dst(%dma_wait3A_156 : memref<208x256xf32, #tpu.memory_space<hbm>>)
    %dma_wait3A_157 = arith.constant 0 : i32
    %dma_wait3A_158 = tpu.memref_slice %arg4[%add3A_148, %dma_wait3A_157] : memref<106496x256xf32, #tpu.memory_space<hbm>> -> memref<208x256xf32, #tpu.memory_space<hbm>>
    %dma_wait3A_159 = arith.constant 0 : i32
    %dma_wait3A_160 = tpu.memref_slice %arg4[%add3A_148, %dma_wait3A_159] : memref<106496x256xf32, #tpu.memory_space<hbm>> -> memref<208x256xf32, #tpu.memory_space<hbm>>
    tpu.wait_dma2 semaphore(%arg11 : memref<!tpu.dma_semaphore, #tpu.memory_space<semaphore_mem>>) src(%arg7 : memref<208x256xf32, #tpu.memory_space<vmem>>) dst(%dma_wait3A_160 : memref<208x256xf32, #tpu.memory_space<hbm>>)
    return
  }
}

module attributes {stable_mosaic.version = 14 : i64} {
  func.func @_tc_body(%arg0: i32, %arg1: memref<1024x26xi32, #tpu.memory_space<vmem>>, %arg2: memref<26x1664xf32, #tpu.memory_space<vmem>>, %arg3: memref<1x1664xf32, #tpu.memory_space<vmem>>, %arg4: memref<1x1664xf32, #tpu.memory_space<vmem>>, %arg5: memref<16384x1664xf32, #tpu.memory_space<any>>, %arg6: memref<1024x1664xf32, #tpu.memory_space<vmem>>) attributes {dimension_semantics = [#tpu.dimension_semantics<arbitrary>], iteration_bounds = array<i64: 8>, scalar_prefetch = 0 : i64, scratch_operands = 0 : i64, tpu.core_type = #tpu.core_type<tc>, window_params = [{transform_indices = @transform_0, window_bounds = array<i64: 1024, 26>}, {pipeline_mode = #tpu.pipeline_mode<synchronous>, transform_indices = @transform_1, window_bounds = array<i64: 26, 1664>}, {pipeline_mode = #tpu.pipeline_mode<synchronous>, transform_indices = @transform_2, window_bounds = array<i64: 1, 1664>}, {pipeline_mode = #tpu.pipeline_mode<synchronous>, transform_indices = @transform_3, window_bounds = array<i64: 1, 1664>}, {}, {transform_indices = @transform_5, window_bounds = array<i64: 1024, 1664>}]} {
    %get3A = arith.constant 0 : index
    %get3A_0 = arith.constant 0 : index
    %get3A_1 = vector.load %arg1[%get3A, %get3A_0] : memref<1024x26xi32, #tpu.memory_space<vmem>>, vector<1024x26xi32>
    %convert_element_type3A = arith.sitofp %get3A_1 : vector<1024x26xi32> to vector<1024x26xf32>
    %get3A_2 = arith.constant 0 : index
    %get3A_3 = arith.constant 0 : index
    %get3A_4 = vector.load %arg2[%get3A_2, %get3A_3] : memref<26x1664xf32, #tpu.memory_space<vmem>>, vector<26x1664xf32>
    %dot_general3A = arith.constant dense<0.000000e+00> : vector<1024x1664xf32>
    %dot_general3A_5 = tpu.matmul %convert_element_type3A, %get3A_4, %dot_general3A {dimension_numbers = #tpu.dot_dimension_numbers<[1], [0], [0], [1], [0, 0, 1, 1], [], []>, transpose_lhs_hint = false} : vector<1024x26xf32>, vector<26x1664xf32>, vector<1024x1664xf32> -> vector<1024x1664xf32>
    %get3A_6 = arith.constant 0 : index
    %get3A_7 = arith.constant 0 : index
    %get3A_8 = vector.load %arg3[%get3A_6, %get3A_7] : memref<1x1664xf32, #tpu.memory_space<vmem>>, vector<1x1664xf32>
    %mul3A = vector.broadcast %get3A_8 : vector<1x1664xf32> to vector<1024x1664xf32>
    %mul3A_9 = arith.mulf %dot_general3A_5, %mul3A : vector<1024x1664xf32>
    %get3A_10 = arith.constant 0 : index
    %get3A_11 = arith.constant 0 : index
    %get3A_12 = vector.load %arg4[%get3A_10, %get3A_11] : memref<1x1664xf32, #tpu.memory_space<vmem>>, vector<1x1664xf32>
    %add3A = vector.broadcast %get3A_12 : vector<1x1664xf32> to vector<1024x1664xf32>
    %add3A_13 = arith.addf %mul3A_9, %add3A : vector<1024x1664xf32>
    %swap3A = arith.constant 0 : index
    %swap3A_14 = arith.constant 0 : index
    %swap3A_15 = vector.load %arg6[%swap3A, %swap3A_14] : memref<1024x1664xf32, #tpu.memory_space<vmem>>, vector<1024x1664xf32>
    tpu.vector_store %arg6[%swap3A, %swap3A_14], %add3A_13 {strides = array<i32>} : memref<1024x1664xf32, #tpu.memory_space<vmem>>, vector<1024x1664xf32>,
    return
  }
  func.func @transform_0(%arg0: i32) -> (i32, i32) {
    %add3A = arith.constant 8 : i32
    %add3A_0 = arith.addi %arg0, %add3A : i32
    %c0_i32 = arith.constant 0 : i32
    %c0_i32_1 = arith.constant 0 : i32
    return %add3A_0, %c0_i32 : i32, i32
  }
  func.func @transform_1(%arg0: i32) -> (i32, i32) {
    %c0_i32 = arith.constant 0 : i32
    %c0_i32_0 = arith.constant 0 : i32
    %c0_i32_1 = arith.constant 0 : i32
    return %c0_i32, %c0_i32_0 : i32, i32
  }
  func.func @transform_2(%arg0: i32) -> (i32, i32) {
    %c0_i32 = arith.constant 0 : i32
    %c0_i32_0 = arith.constant 0 : i32
    %c0_i32_1 = arith.constant 0 : i32
    return %c0_i32, %c0_i32_0 : i32, i32
  }
  func.func @transform_3(%arg0: i32) -> (i32, i32) {
    %c0_i32 = arith.constant 0 : i32
    %c0_i32_0 = arith.constant 0 : i32
    %c0_i32_1 = arith.constant 0 : i32
    return %c0_i32, %c0_i32_0 : i32, i32
  }
  func.func @transform_5(%arg0: i32) -> (i32, i32) {
    %add3A = arith.constant 8 : i32
    %add3A_0 = arith.addi %arg0, %add3A : i32
    %c0_i32 = arith.constant 0 : i32
    %c0_i32_1 = arith.constant 0 : i32
    return %add3A_0, %c0_i32 : i32, i32
  }
}

</mosaic_0001>

<sc_bundles>
// kernel: kernel.4.cloned.1.call-start
scs
__scs_entry_jumppad:
0x0: {  	(pc) =	sbr.rel $0x88, $3  }
0x1: {  	(tag) =	ssettag $0x0;
	lr =	simm.s32 $0x1  }
0x2: {  	[smem:$0x3F9F] =	sst lr;
	_ =	strace $0xD0000000  }
0x3: {  	_ = 	snop  }
0x4: {  	_ = 	snop  }
0x5: {  	_ = 	snop  }
0x6: {  	_ = 	snop  }
0x7: {  	_ = 	snop  }
__scs_overlays_trampoline_lowered:
0x8: {  	[smem:$0x3FAE] =	sst s0  }
0x9: {  	[smem:$0x3FAF] =	sst s1  }
0xa: {  	[smem:$0x3FB0] =	sst s2  }
0xb: {  	[smem:$0x3FB1] =	sst s3  }
0xc: {  	[smem:$0x3FB2] =	sst s4  }
0xd: {  	[smem:$0x3FB3] =	sst s5  }
0xe: {  	[smem:$0x3FB4] =	sst s6  }
0xf: {  	[smem:$0x3FB5] =	sst s7  }
0x10: {  	[smem:$0x3FB6] =	sst s8  }
0x11: {  	[smem:$0x3FB7] =	sst s9;
	s0 =	simm.s32 @!p0 $0x0  }
0x12: {  	s1 =	sld [smem:$0x3F9D];
	s0 =	simm.s32 @p0 $0x1  }
0x13: {  	[smem:$0x3FB8] =	sst s0;
	s0 =	simm.s32 @!p1 $0x0  }
0x14: {  	s2 =	sld [smem:$0x3F9C];
	s0 =	simm.s32 @p1 $0x1  }
0x15: {  	[smem:$0x3FB9] =	sst s0;
	s0 =	simm.s32 @!p2 $0x0  }
0x16: {  	s3 =	sld [smem:$0x3FDB];
	s0 =	simm.s32 @p2 $0x1  }
0x17: {  	s4 =	simm.s32 $0x1BF5;
	[smem:$0x3FBB] =	sst s0  }
0x18: {  	s0 =	sld [smem:$0x3F9E];
	_ =	swait.ge [sflag:s4], $0x0  }
0x19: {  	s7 =	sld [smem:$0x3F9F]  }
0x1a: {  	s8 =	sadd.s32 $0xFFFFE003, lr  }
0x1b: {  	s9 =	sadd.s32 $0xFFFFFEF7, lr;
	s5 =	simm.s32 $0xFFFFFFFF;
	p2 =	slt.u32 s8, $0xFFFFF086  }
0x1c: {  	p1 =	slt.u32 s9, $0xF7A;
	s5 =	simm.s32 @!p2 $0x0  }
0x1d: {  	s5 =	simm.s32 @p1 $0x1;
	p0 =	seq.s32 s7, s2  }
0x1e: {  	s7 =	smul.u32 @!p0 $0xF7A, s2;
	p2 =	seq.s32 @!p0 s5, $0x0  }
0x1f: {  	s9 =	smul.u32 $0xF7A, s1;
	s8 =	simm.s32 @!p0 $0x1BF5;
	p2 =	por !p2, p0  }
0x20: {  	[sflag:s8] =	ssyncset.s32 @!p0 $0xFFFFF086;
	s6 =	sadd.s32 @!p0 s3, s7;
	s7 =	simm.s32 @!p0 $0x108  }
0x21: {  	s3 =	sadd.s32 s3, s9;
	s6 =	sadd.s32 @!p0 $0x88, s6;
	s7 =	simm.s32 @p2 $0x1082  }
0x22: {  	[simem:s7], [sflag:s8] =	dma.local @!p0 [hbm:s6], $0xF7A  }
0x23: {  	s9 =	sor.u32 $0xD0000000, s2;
	s6 =	simm.s32 $0x108;
	_ =	swait.ge @!p0 [sflag:s8], $0x0  }
0x24: {  	s3 =	sadd.s32 $0x88, s3;
	s6 =	simm.s32 @!p1 $0x1082;
	[sflag:s4] =	ssyncset.s32 $0xFFFFF086  }
0x25: {  	[simem:s6], [sflag:s4] =	dma.local [hbm:s3], $0xF7A  }
0x26: {  	[smem:$0x3F9F] =	sst s1;
	(tag) =	ssettag s2;
	_ =	strace s9  }
0x27: {  	s1 =	sld [smem:$0x3FAF]  }
0x28: {  	s2 =	sld [smem:$0x3FB0]  }
0x29: {  	s4 =	sld [smem:$0x3FB2]  }
0x2a: {  	p0 =	seq.s32 s5, $0x0;
	s5 =	sld [smem:$0x3FB3]  }
0x2b: {  	s6 =	sld [smem:$0x3FB4]  }
0x2c: {  	s7 =	sld [smem:$0x3FB5]  }
0x2d: {  	s3 =	simm.s32 $0x108;
	s8 =	sld [smem:$0x3FB6]  }
0x2e: {  	s3 =	simm.s32 @!p0 $0x1082;
	s9 =	sld [smem:$0x3FB7]  }
0x2f: {  	lr =	sadd.s32 s0, s3;
	s0 =	sld [smem:$0x3FAE]  }
0x30: {  	s3 =	sld [smem:$0x3FB1]  }
0x31: {  	[smem:$0x3FBA] =	sst s10  }
0x32: {  	s10 =	sld [smem:$0x3FB8];
	_ =	sdelay $0x3  }
0x33: {  	p0 =	seq.s32 s10, $0x1;
	s10 =	sld [smem:$0x3FBA];
	_ =	sdelay $0x3  }
0x34: {  	[smem:$0x3FBA] =	sst s10  }
0x35: {  	s10 =	sld [smem:$0x3FB9];
	_ =	sdelay $0x3  }
0x36: {  	p1 =	seq.s32 s10, $0x1;
	s10 =	sld [smem:$0x3FBA];
	_ =	sdelay $0x3  }
0x37: {  	[smem:$0x3FBA] =	sst s10  }
0x38: {  	s10 =	sld [smem:$0x3FBB]  }
0x39: {  	_ = 	snop;
	(pc) =	sbr.ind lr, $3  }
0x3a: {  	_ = 	snop  }
0x3b: {  	_ = 	snop  }
0x3c: {  	p2 =	seq.s32 s10, $0x1;
	s10 =	sld [smem:$0x3FBA]  }
0x3d: {  	_ =	shalt  }
0x3e: {  	_ =	shalt  }
0x3f: {  	_ =	shalt  }
0x40: {  	_ =	shalt  }
0x41: {  	_ =	shalt  }
0x42: {  	_ =	shalt  }
0x43: {  	_ =	shalt  }
0x44: {  	_ =	shalt  }
0x45: {  	_ =	shalt  }
0x46: {  	_ =	shalt  }
0x47: {  	_ =	shalt  }
0x48: {  	_ =	shalt  }
0x49: {  	_ =	shalt  }
0x4a: {  	_ =	shalt  }
0x4b: {  	_ =	shalt  }
0x4c: {  	_ =	shalt  }
0x4d: {  	_ =	shalt  }
0x4e: {  	_ =	shalt  }
0x4f: {  	_ =	shalt  }
0x50: {  	_ =	shalt  }
0x51: {  	_ =	shalt  }
0x52: {  	_ =	shalt  }
0x53: {  	_ =	shalt  }
0x54: {  	_ =	shalt  }
0x55: {  	_ =	shalt  }
0x56: {  	_ =	shalt  }
0x57: {  	_ =	shalt  }
0x58: {  	_ =	shalt  }
0x59: {  	_ =	shalt  }
0x5a: {  	_ =	shalt  }
0x5b: {  	_ =	shalt  }
0x5c: {  	_ =	shalt  }
0x5d: {  	_ =	shalt  }
0x5e: {  	_ =	shalt  }
0x5f: {  	_ =	shalt  }
0x60: {  	_ =	shalt  }
0x61: {  	_ =	shalt  }
0x62: {  	_ =	shalt  }
0x63: {  	_ =	shalt  }
0x64: {  	_ =	shalt  }
0x65: {  	_ =	shalt  }
0x66: {  	_ =	shalt  }
0x67: {  	_ =	shalt  }
0x68: {  	_ =	shalt  }
0x69: {  	_ =	shalt  }
0x6a: {  	_ =	shalt  }
0x6b: {  	_ =	shalt  }
0x6c: {  	_ =	shalt  }
0x6d: {  	_ =	shalt  }
0x6e: {  	_ =	shalt  }
0x6f: {  	_ =	shalt  }
0x70: {  	_ =	shalt  }
0x71: {  	_ =	shalt  }
0x72: {  	_ =	shalt  }
0x73: {  	_ =	shalt  }
0x74: {  	_ =	shalt  }
0x75: {  	_ =	shalt  }
0x76: {  	_ =	shalt  }
0x77: {  	_ =	shalt  }
0x78: {  	_ =	shalt  }
0x79: {  	_ =	shalt  }
0x7a: {  	_ =	shalt  }
0x7b: {  	_ =	shalt  }
0x7c: {  	_ =	shalt  }
0x7d: {  	_ =	shalt  }
0x7e: {  	_ =	shalt  }
0x7f: {  	_ =	shalt  }
0x80: {  	_ =	shalt  }
0x81: {  	_ =	shalt  }
0x82: {  	_ =	shalt  }
0x83: {  	_ =	shalt  }
0x84: {  	_ =	shalt  }
0x85: {  	_ =	shalt  }
0x86: {  	_ =	shalt  }
0x87: {  	_ =	shalt  }
.Lfunc_end0:
.L_simem_size_0:
called_computation_lowered:
.L_overlay_start_0:
0x88: {  	s2 =	sld [smem:$0x3FD9]  }
0x89: {  	s3 =	sld [smem:$0x3FFE];
	_ =	sdelay $0x1  }
0x8a: {  	s1 =	srdreg.scid  }
0x8b: {  	s0 =	sand.u32 $0x1, s1  }
0x8c: {  	s17 =	sshll.u32 s0, $0xA;
	s2 =	sadd.s32 s3, s2  }
0x8d: {  	s2 =	sadd.s32 s2, s17  }
0x8e: {  	[smem:$0x3FC6] =	sst s2  }
0x8f: {  	_ = 	snop  }
0x90: {  	s2 =	sld [smem:$0x3FD0];
	(tm) =	ssettm $0x1  }
0x91: {  	s18 =	sld [smem:$0x3FFB];
	_ =	sdelay $0x3  }
0x92: {  	_ =	strace s18  }
0x93: {  	s3 =	sld [smem:$0x3FFC];
	_ =	sdelay $0x3  }
0x94: {  	_ =	strace s3  }
0x95: {  	s3 =	sld [smem:$0x3FFD];
	_ =	sdelay $0x3  }
0x96: {  	_ =	strace s3  }
0x97: {  	_ =	strace $0x8FFFFFFF  }
0x98: {  	s19 =	sld [smem:$0x3FDB];
	_ =	sdelay $0x1  }
0x99: {  	s4 =	simm.s32 $_scs_section_size  }
0x9a: {  	s5 =	simm.s32 $_size__tile_overlayer_lowered;
	s6 =	simm.s32 $_tile_overlayer_lowered  }
0x9b: {  	s22 =	simm.s32 $0x1BFF;
	s21 =	sshll.u32 s6, $0x1;
	s3 =	sadd.s32 s4, s19  }
0x9c: {  	s7 =	simm.s32 $0x0;
	s20 =	sshll.u32 s5, $0x1;
	s5 =	sadd.s32 s21, s3  }
0x9d: {  	[timem:s7], [sflag:s22] =	dma.local [hbm:s5], s20  }
0x9e: {  	_ =	swait.ge [sflag:s22], s20  }
0x9f: {  	s4 =	ssub.s32 $0x0, s20;
	[sflag:s22] =	ssyncset.done $0x0  }
0xa0: {  	[sflag:s22] =	ssyncadd.s32 s4;
	_ =	sdelay $0x1  }
0xa1: {  	s23 =	simm.s32 $0x1B8B  }
0xa2: {  	_ =	swait.ge [sflag:s23], $0x1  }
0xa3: {  	[sflag:s23] =	ssyncset.done $0x0  }
0xa4: {  	s25 =	simm.s32 $0x1B8E;
	s24 =	sld [smem:$0x3FFE];
	[sflag:s23] =	ssyncadd.s32 $0xFFFFFFFF  }
0xa5: {  	s26 =	simm.s32 $execute0_lowered;
	[smem:$0x3FD2] =	sst s25  }
0xa6: {  	s5 =	sshll.u32 s26, $0x1;
	_ =	strace $0x80000046;
	[dreg:$0x1] =	wrdreg $0xFFFFFFFF  }
0xa7: {  	s28 =	simm.s32 $_size_execute0_lowered;
	s3 =	sadd.s32 s3, s5;
	[dreg:$0x0] =	wrdreg $0x0  }
0xa8: {  	s5 =	sshll.u32 s28, $0x1;
	[dreg:$0x2] =	wrdreg s3  }
0xa9: {  	[dreg:$0x3] =	wrdreg s5  }
0xaa: {  	[dreg:$0x4] =	wrdreg $0xC0  }
0xab: {  	_ =	task [dreg:s7], $0x5FFFF  }
0xac: {  	[dreg:$0x1] =	wrdreg $0xFFFFFFFF  }
0xad: {  	[dreg:$0x0] =	wrdreg $0x60  }
0xae: {  	[dreg:$0x2] =	wrdreg s24  }
0xaf: {  	[dreg:$0x3] =	wrdreg s2  }
0xb0: {  	[dreg:$0x4] =	wrdreg $0x9  }
0xb1: {  	_ =	task.clear_ibuf [dreg:s7], $0x5FFFF;
	_ =	strace $0x90000046  }
0xb2: {  	s29 =	simm.s32 $0x9;
	_ =	strace $0x80000048  }
0xb3: {  	_ =	swait.ge [sflag:s29], $0x1  }
0xb4: {  	[sflag:s29] =	ssyncadd.s32 $0xFFFFFFFF  }
0xb5: {  	_ =	strace $0x90000048  }
0xb6: {  	_ =	sfence  }
0xb7: {  	s30 =	sld [smem:$0x0];
	_ =	sdelay $0x2  }
0xb8: {  	s31 =	sshll.u32 s1, $0xD;
	s1 =	sshrl.u32 s1, $0x2  }
0xb9: {  	s3 =	sand.u32 $0x4000, s31;
	s1 =	sadd.s32 s1, s30  }
0xba: {  	s0 =	sor.u32 s3, s0;
	s1 =	sshll.u32 s1, $0x11  }
0xbb: {  	s0 =	sor.u32 s1, s0  }
0xbc: {  	s0 =	sadd.s32 $0x8F2B, s0  }
0xbd: {  	[sflag:s0] =	ssyncadd.remote.s32 $0x1  }
0xbe: {  	_ =	sfence.sel $0xFFFF  }
0xbf: {  	[dreg:$0x0] =	wrdreg $0xFFFFFFFF;
	(pc) =	sbr.abs _section_cstart, $3  }
0xc0: {  	[dreg:$0x1] =	wrdreg $0xFFFFFFFF  }
0xc1: {  	_ =	task.clear_ibuf [dreg:s7], $0x2FFFF;
	_ =	strace $0x9FFFFFFF  }
0xc2: {  	(tm) =	ssettm $0x7FFFFFFF  }
0xc3: {  	_ =	shalt  }
tec
execute0_lowered:
.L_overlay_start_1:
0x0: {  	(tag) =	ssettag $0x1  }
0x1: {  	s0 =	srdreg.scid;
	s1 =	stileid.u32  }
0x2: {  	s0 =	sand.u32 $0x1, s0;
	s1 =	sshll.u32 s1, $0x1  }
0x3: {  	s1 =	sor.u32 s0, s1  }
0x4: {  	s3 =	rddreg [dreg:$0x0];
	s5 =	smul.u32 $0xD0, s1  }
0x5: {  	s4 =	rddreg [dreg:$0x1];
	s2 =	simm.s32 $0x0;
	s6 =	smul.u32 $0x68000, s1  }
0x6: {  	[smem:$0x7FF] =	sst s2;
	s1 =	smul.u32 $0xD000, s1  }
0x7: {  	s7 =	simm.s32 $0x2;
	s8 =	simm.s32 $0x4;
	_ =	strace $0x80000047  }
0x8: {  	s5 =	sadd.s32 s5, s3;
	s6 =	sshrl.u32 s6, $0x3;
	s1 =	sadd.s32 s4, s1  }
0x9: {  	s5 =	sadd.s32 $0x400, s5;
	s4 =	sadd.s32 s4, s6;
	[dreg:$0x4] =	wrdreg s1  }
0xa: {  	s0 =	ssub.s32 $0x2, s0;
	[dreg:$0x3] =	wrdreg s5;
	s23 =	sadd.s32 $0x1A00, s4  }
0xb: {  	s29 =	sshrl.u32 s0, $0x1;
	s24 =	sadd.s32 $0x3400, s4;
	[dreg:$0x5] =	wrdreg s23  }
0xc: {  	s0 =	ssub.s32 s0, s29;
	s25 =	sadd.s32 $0x4E00, s4;
	[dreg:$0x6] =	wrdreg s24  }
0xd: {  	s3 =	sadd.s32 $0x1E00, s3;
	s26 =	sadd.s32 $0x6800, s4;
	[dreg:$0x7] =	wrdreg s25  }
0xe: {  	s6 =	simm.s32 $0xD680;
	s28 =	sadd.s32 $0x8200, s4;
	[dreg:$0x8] =	wrdreg s26  }
0xf: {  	v2 =	vlaneseq.u32;
	s1 =	simm.s32 $0x1;
	s30 =	sadd.s32 $0x9C00, s4;
	[dreg:$0x9] =	wrdreg s28  }
0x10: {  	vm0 =	vmmov $0xffff;
	v1 =	vshrl.u32 v2, $0x3;
	s31 =	sadd.s32 $0xB600, s4;
	s4 =	smax.u32 s0, $0x1;
	[dreg:$0xa] =	wrdreg s30  }
0x11: {  	v0 =	vand.u32 $0x7, v2;
	v2 =	vor.u32 $0x8, v2;
	v1 =	vmul.u32 $0x8, v1;
	s5 =	simm.s32 $0x3;
	s0 =	simm.s32 $0x680;
	[dreg:$0xb] =	wrdreg s31  }
.LBB2_1:
0x12: {  	s9 =	rddreg [dreg:$0x3];
	s16 =	simm.s32 $0x5  }
0x13: {  	[tilespmem:s2], [sflag:$0x5] =	stream.linear.gather [hbm4b:s9+s2], $0x680, $0x38;
	[tilespmem:$0x1A680] =	vst v63  }
0x14: {  	_ =	swait.ge [sflag:s16], $0x680  }
0x15: {  	[sflag:s16] =	ssyncset.done $0x0  }
0x16: {  	[sflag:s16] =	ssyncadd.s32 $0xFFFFF980  }
0x17: {  	v3 =	vld [tilespmem:$0x0];
	_ =	sdelay $0x4  }
0x18: {  	v4 =	vshll.u32 v3, $0x1  }
0x19: {  	v3 =	vand.u32 $0x7, v3;
	v4 =	vand.u32 $0xFFFFFFF0, v4  }
0x1a: {  	v3 =	vor.u32 v3, v4  }
0x1b: {  	v4 =	vperm.xlane v3, v0;
	_ =	sdelay $0x1  }
0x1c: {  	v3 =	vperm.xlane v3, v2;
	v4 =	vadd.s32 v1, v4;
	_ =	sdelay $0x1  }
0x1d: {  	v3 =	vadd.s32 v1, v3;
	_ =	sdelay $0x2  }
0x1e: {  	[tilespmem:s0], [sflag:$0x1] =	stream.indirect_vreg.gather [hbm4b:s3+s2], $0x80, v4, vm0, $0xb8;
	[tilespmem:$0x1A680] =	vst v63  }
0x1f: {  	s17 =	simm.s32 $0xE80  }
0x20: {  	[tilespmem:s17], [sflag:$0x1] =	stream.indirect_vreg.gather [hbm4b:s3+s2], $0x80, v3, vm0, $0xb8;
	[tilespmem:$0x1A680] =	vst v63  }
0x21: {  	v3 =	vld [tilespmem:$0x10];
	_ =	sdelay $0x4  }
0x22: {  	v17 =	vshll.u32 v3, $0x1  }
0x23: {  	v3 =	vand.u32 $0x7, v3;
	v4 =	vand.u32 $0xFFFFFFF0, v17  }
0x24: {  	v3 =	vor.u32 v3, v4  }
0x25: {  	v4 =	vperm.xlane v3, v0;
	_ =	sdelay $0x1  }
0x26: {  	v3 =	vperm.xlane v3, v2;
	v4 =	vadd.s32 v1, v4;
	_ =	sdelay $0x1  }
0x27: {  	v3 =	vadd.s32 v1, v3;
	_ =	sdelay $0x1  }
0x28: {  	s18 =	simm.s32 $0x1680  }
0x29: {  	[tilespmem:s18], [sflag:$0x1] =	stream.indirect_vreg.gather [hbm4b:s3+s2], $0x80, v4, vm0, $0xb8;
	[tilespmem:$0x1A680] =	vst v63  }
0x2a: {  	s19 =	simm.s32 $0x1E80  }
0x2b: {  	[tilespmem:s19], [sflag:$0x1] =	stream.indirect_vreg.gather [hbm4b:s3+s2], $0x80, v3, vm0, $0xb8;
	[tilespmem:$0x1A680] =	vst v63  }
0x2c: {  	v3 =	vld [tilespmem:$0x20];
	_ =	sdelay $0x4  }
0x2d: {  	v18 =	vshll.u32 v3, $0x1  }
0x2e: {  	v3 =	vand.u32 $0x7, v3;
	v4 =	vand.u32 $0xFFFFFFF0, v18  }
0x2f: {  	v3 =	vor.u32 v3, v4  }
0x30: {  	v4 =	vperm.xlane v3, v0;
	_ =	sdelay $0x1  }
0x31: {  	v3 =	vperm.xlane v3, v2;
	v4 =	vadd.s32 v1, v4;
	_ =	sdelay $0x1  }
0x32: {  	v3 =	vadd.s32 v1, v3;
	_ =	sdelay $0x1  }
0x33: {  	s20 =	simm.s32 $0x2680  }
0x34: {  	[tilespmem:s20], [sflag:$0x1] =	stream.indirect_vreg.gather [hbm4b:s3+s2], $0x80, v4, vm0, $0xb8;
	[tilespmem:$0x1A680] =	vst v63  }
0x35: {  	s22 =	simm.s32 $0x2E80  }
0x36: {  	[tilespmem:s22], [sflag:$0x1] =	stream.indirect_vreg.gather [hbm4b:s3+s2], $0x80, v3, vm0, $0xb8;
	[tilespmem:$0x1A680] =	vst v63  }
0x37: {  	v3 =	vld [tilespmem:$0x30];
	_ =	sdelay $0x4  }
0x38: {  	v19 =	vshll.u32 v3, $0x1  }
0x39: {  	v3 =	vand.u32 $0x7, v3;
	v4 =	vand.u32 $0xFFFFFFF0, v19  }
0x3a: {  	v3 =	vor.u32 v3, v4  }
0x3b: {  	v4 =	vperm.xlane v3, v0;
	_ =	sdelay $0x1  }
0x3c: {  	v3 =	vperm.xlane v3, v2;
	v4 =	vadd.s32 v1, v4;
	_ =	sdelay $0x1  }
0x3d: {  	v3 =	vadd.s32 v1, v3;
	_ =	sdelay $0x1  }
0x3e: {  	s24 =	simm.s32 $0x3680  }
0x3f: {  	[tilespmem:s24], [sflag:$0x1] =	stream.indirect_vreg.gather [hbm4b:s3+s2], $0x80, v4, vm0, $0xb8;
	[tilespmem:$0x1A680] =	vst v63  }
0x40: {  	s25 =	simm.s32 $0x3E80  }
0x41: {  	[tilespmem:s25], [sflag:$0x1] =	stream.indirect_vreg.gather [hbm4b:s3+s2], $0x80, v3, vm0, $0xb8;
	[tilespmem:$0x1A680] =	vst v63  }
0x42: {  	v3 =	vld [tilespmem:$0x40];
	_ =	sdelay $0x4  }
0x43: {  	v20 =	vshll.u32 v3, $0x1  }
0x44: {  	v3 =	vand.u32 $0x7, v3;
	v4 =	vand.u32 $0xFFFFFFF0, v20  }
0x45: {  	v3 =	vor.u32 v3, v4  }
0x46: {  	v4 =	vperm.xlane v3, v0;
	_ =	sdelay $0x1  }
0x47: {  	v3 =	vperm.xlane v3, v2;
	v4 =	vadd.s32 v1, v4;
	_ =	sdelay $0x1  }
0x48: {  	v3 =	vadd.s32 v1, v3;
	_ =	sdelay $0x1  }
0x49: {  	s26 =	simm.s32 $0x4680  }
0x4a: {  	[tilespmem:s26], [sflag:$0x1] =	stream.indirect_vreg.gather [hbm4b:s3+s2], $0x80, v4, vm0, $0xb8;
	[tilespmem:$0x1A680] =	vst v63  }
0x4b: {  	s28 =	simm.s32 $0x4E80  }
0x4c: {  	[tilespmem:s28], [sflag:$0x1] =	stream.indirect_vreg.gather [hbm4b:s3+s2], $0x80, v3, vm0, $0xb8;
	[tilespmem:$0x1A680] =	vst v63  }
0x4d: {  	v3 =	vld [tilespmem:$0x50];
	_ =	sdelay $0x4  }
0x4e: {  	v21 =	vshll.u32 v3, $0x1  }
0x4f: {  	v3 =	vand.u32 $0x7, v3;
	v4 =	vand.u32 $0xFFFFFFF0, v21  }
0x50: {  	v3 =	vor.u32 v3, v4  }
0x51: {  	v4 =	vperm.xlane v3, v0;
	_ =	sdelay $0x1  }
0x52: {  	v3 =	vperm.xlane v3, v2;
	v4 =	vadd.s32 v1, v4;
	_ =	sdelay $0x1  }
0x53: {  	v3 =	vadd.s32 v1, v3;
	_ =	sdelay $0x1  }
0x54: {  	s29 =	simm.s32 $0x5680  }
0x55: {  	[tilespmem:s29], [sflag:$0x1] =	stream.indirect_vreg.gather [hbm4b:s3+s2], $0x80, v4, vm0, $0xb8;
	[tilespmem:$0x1A680] =	vst v63  }
0x56: {  	s30 =	simm.s32 $0x5E80  }
0x57: {  	[tilespmem:s30], [sflag:$0x1] =	stream.indirect_vreg.gather [hbm4b:s3+s2], $0x80, v3, vm0, $0xb8;
	[tilespmem:$0x1A680] =	vst v63  }
0x58: {  	v3 =	vld [tilespmem:$0x60];
	_ =	sdelay $0x4  }
0x59: {  	v22 =	vshll.u32 v3, $0x1  }
0x5a: {  	v3 =	vand.u32 $0x7, v3;
	v4 =	vand.u32 $0xFFFFFFF0, v22  }
0x5b: {  	v3 =	vor.u32 v3, v4  }
0x5c: {  	v4 =	vperm.xlane v3, v0;
	_ =	sdelay $0x1  }
0x5d: {  	v3 =	vperm.xlane v3, v2;
	v4 =	vadd.s32 v1, v4;
	_ =	sdelay $0x1  }
0x5e: {  	v3 =	vadd.s32 v1, v3;
	_ =	sdelay $0x1  }
0x5f: {  	s31 =	simm.s32 $0x6680  }
0x60: {  	[tilespmem:s31], [sflag:$0x1] =	stream.indirect_vreg.gather [hbm4b:s3+s2], $0x80, v4, vm0, $0xb8;
	[tilespmem:$0x1A680] =	vst v63  }
0x61: {  	s10 =	simm.s32 $0x6E80  }
0x62: {  	[tilespmem:s10], [sflag:$0x1] =	stream.indirect_vreg.gather [hbm4b:s3+s2], $0x80, v3, vm0, $0xb8;
	[tilespmem:$0x1A680] =	vst v63  }
0x63: {  	v3 =	vld [tilespmem:$0x70];
	_ =	sdelay $0x4  }
0x64: {  	v23 =	vshll.u32 v3, $0x1  }
0x65: {  	v3 =	vand.u32 $0x7, v3;
	v4 =	vand.u32 $0xFFFFFFF0, v23  }
0x66: {  	v3 =	vor.u32 v3, v4  }
0x67: {  	v4 =	vperm.xlane v3, v0;
	_ =	sdelay $0x1  }
0x68: {  	v3 =	vperm.xlane v3, v2;
	v4 =	vadd.s32 v1, v4;
	_ =	sdelay $0x1  }
0x69: {  	v3 =	vadd.s32 v1, v3;
	_ =	sdelay $0x1  }
0x6a: {  	s11 =	simm.s32 $0x7680  }
0x6b: {  	[tilespmem:s11], [sflag:$0x1] =	stream.indirect_vreg.gather [hbm4b:s3+s2], $0x80, v4, vm0, $0xb8;
	[tilespmem:$0x1A680] =	vst v63  }
0x6c: {  	s12 =	simm.s32 $0x7E80  }
0x6d: {  	[tilespmem:s12], [sflag:$0x1] =	stream.indirect_vreg.gather [hbm4b:s3+s2], $0x80, v3, vm0, $0xb8;
	[tilespmem:$0x1A680] =	vst v63  }
0x6e: {  	v3 =	vld [tilespmem:$0x80];
	_ =	sdelay $0x4  }
0x6f: {  	v24 =	vshll.u32 v3, $0x1  }
0x70: {  	v3 =	vand.u32 $0x7, v3;
	v4 =	vand.u32 $0xFFFFFFF0, v24  }
0x71: {  	v3 =	vor.u32 v3, v4  }
0x72: {  	v4 =	vperm.xlane v3, v0;
	_ =	sdelay $0x1  }
0x73: {  	v3 =	vperm.xlane v3, v2;
	v4 =	vadd.s32 v1, v4;
	_ =	sdelay $0x1  }
0x74: {  	v3 =	vadd.s32 v1, v3;
	_ =	sdelay $0x1  }
0x75: {  	s16 =	simm.s32 $0x8680  }
0x76: {  	[tilespmem:s16], [sflag:$0x1] =	stream.indirect_vreg.gather [hbm4b:s3+s2], $0x80, v4, vm0, $0xb8;
	[tilespmem:$0x1A680] =	vst v63  }
0x77: {  	s17 =	simm.s32 $0x8E80  }
0x78: {  	[tilespmem:s17], [sflag:$0x1] =	stream.indirect_vreg.gather [hbm4b:s3+s2], $0x80, v3, vm0, $0xb8;
	[tilespmem:$0x1A680] =	vst v63  }
0x79: {  	v3 =	vld [tilespmem:$0x90];
	_ =	sdelay $0x4  }
0x7a: {  	v25 =	vshll.u32 v3, $0x1  }
0x7b: {  	v3 =	vand.u32 $0x7, v3;
	v4 =	vand.u32 $0xFFFFFFF0, v25  }
0x7c: {  	v3 =	vor.u32 v3, v4  }
0x7d: {  	v4 =	vperm.xlane v3, v0;
	_ =	sdelay $0x1  }
0x7e: {  	v3 =	vperm.xlane v3, v2;
	v4 =	vadd.s32 v1, v4;
	_ =	sdelay $0x1  }
0x7f: {  	v3 =	vadd.s32 v1, v3;
	_ =	sdelay $0x1  }
0x80: {  	s18 =	simm.s32 $0x9680  }
0x81: {  	[tilespmem:s18], [sflag:$0x1] =	stream.indirect_vreg.gather [hbm4b:s3+s2], $0x80, v4, vm0, $0xb8;
	[tilespmem:$0x1A680] =	vst v63  }
0x82: {  	s19 =	simm.s32 $0x9E80  }
0x83: {  	[tilespmem:s19], [sflag:$0x1] =	stream.indirect_vreg.gather [hbm4b:s3+s2], $0x80, v3, vm0, $0xb8;
	[tilespmem:$0x1A680] =	vst v63  }
0x84: {  	v3 =	vld [tilespmem:$0xA0];
	_ =	sdelay $0x4  }
0x85: {  	v26 =	vshll.u32 v3, $0x1  }
0x86: {  	v3 =	vand.u32 $0x7, v3;
	v4 =	vand.u32 $0xFFFFFFF0, v26  }
0x87: {  	v3 =	vor.u32 v3, v4  }
0x88: {  	v4 =	vperm.xlane v3, v0;
	_ =	sdelay $0x1  }
0x89: {  	v3 =	vperm.xlane v3, v2;
	v4 =	vadd.s32 v1, v4;
	_ =	sdelay $0x1  }
0x8a: {  	v3 =	vadd.s32 v1, v3;
	_ =	sdelay $0x1  }
0x8b: {  	s20 =	simm.s32 $0xA680  }
0x8c: {  	[tilespmem:s20], [sflag:$0x1] =	stream.indirect_vreg.gather [hbm4b:s3+s2], $0x80, v4, vm0, $0xb8;
	[tilespmem:$0x1A680] =	vst v63  }
0x8d: {  	s10 =	simm.s32 $0xAE80  }
0x8e: {  	[tilespmem:s10], [sflag:$0x1] =	stream.indirect_vreg.gather [hbm4b:s3+s2], $0x80, v3, vm0, $0xb8;
	[tilespmem:$0x1A680] =	vst v63  }
0x8f: {  	v3 =	vld [tilespmem:$0xB0];
	_ =	sdelay $0x4  }
0x90: {  	v27 =	vshll.u32 v3, $0x1  }
0x91: {  	v3 =	vand.u32 $0x7, v3;
	v4 =	vand.u32 $0xFFFFFFF0, v27  }
0x92: {  	v3 =	vor.u32 v3, v4  }
0x93: {  	v4 =	vperm.xlane v3, v0;
	_ =	sdelay $0x1  }
0x94: {  	v3 =	vperm.xlane v3, v2;
	v4 =	vadd.s32 v1, v4;
	_ =	sdelay $0x1  }
0x95: {  	v3 =	vadd.s32 v1, v3;
	_ =	sdelay $0x1  }
0x96: {  	s11 =	simm.s32 $0xB680  }
0x97: {  	[tilespmem:s11], [sflag:$0x1] =	stream.indirect_vreg.gather [hbm4b:s3+s2], $0x80, v4, vm0, $0xb8;
	[tilespmem:$0x1A680] =	vst v63  }
0x98: {  	s12 =	simm.s32 $0xBE80  }
0x99: {  	[tilespmem:s12], [sflag:$0x1] =	stream.indirect_vreg.gather [hbm4b:s3+s2], $0x80, v3, vm0, $0xb8;
	[tilespmem:$0x1A680] =	vst v63  }
0x9a: {  	v3 =	vld [tilespmem:$0xC0];
	_ =	sdelay $0x4  }
0x9b: {  	v28 =	vshll.u32 v3, $0x1  }
0x9c: {  	v3 =	vand.u32 $0x7, v3;
	v4 =	vand.u32 $0xFFFFFFF0, v28  }
0x9d: {  	v3 =	vor.u32 v3, v4  }
0x9e: {  	v4 =	vperm.xlane v3, v0;
	_ =	sdelay $0x1  }
0x9f: {  	v3 =	vperm.xlane v3, v2;
	v4 =	vadd.s32 v1, v4;
	_ =	sdelay $0x1  }
0xa0: {  	v3 =	vadd.s32 v1, v3;
	_ =	sdelay $0x1  }
0xa1: {  	s20 =	simm.s32 $0xC680  }
0xa2: {  	[tilespmem:s20], [sflag:$0x1] =	stream.indirect_vreg.gather [hbm4b:s3+s2], $0x80, v4, vm0, $0xb8;
	[tilespmem:$0x1A680] =	vst v63  }
0xa3: {  	s12 =	simm.s32 $0xCE80  }
0xa4: {  	[tilespmem:s12], [sflag:$0x1] =	stream.indirect_vreg.gather [hbm4b:s3+s2], $0x80, v3, vm0, $0xb8;
	[tilespmem:$0x1A680] =	vst v63  }
0xa5: {  	v3 =	vld [tilespmem:$0xD0];
	_ =	sdelay $0x4  }
0xa6: {  	v29 =	vshll.u32 v3, $0x1  }
0xa7: {  	v3 =	vand.u32 $0x7, v3;
	v4 =	vand.u32 $0xFFFFFFF0, v29  }
0xa8: {  	v3 =	vor.u32 v3, v4  }
0xa9: {  	v4 =	vperm.xlane v3, v0;
	_ =	sdelay $0x1  }
0xaa: {  	v3 =	vperm.xlane v3, v2;
	v4 =	vadd.s32 v1, v4;
	_ =	sdelay $0x1  }
0xab: {  	v3 =	vadd.s32 v1, v3;
	_ =	sdelay $0x2  }
0xac: {  	[tilespmem:s6], [sflag:$0x2] =	stream.indirect_vreg.gather [hbm4b:s3+s2], $0x80, v4, vm0, $0xb8;
	[tilespmem:$0x1A680] =	vst v63  }
0xad: {  	s9 =	simm.s32 $0xDE80  }
0xae: {  	[tilespmem:s9], [sflag:$0x2] =	stream.indirect_vreg.gather [hbm4b:s3+s2], $0x80, v3, vm0, $0xb8;
	[tilespmem:$0x1A680] =	vst v63  }
0xaf: {  	v3 =	vld [tilespmem:$0xE0];
	_ =	sdelay $0x4  }
0xb0: {  	v30 =	vshll.u32 v3, $0x1  }
0xb1: {  	v3 =	vand.u32 $0x7, v3;
	v4 =	vand.u32 $0xFFFFFFF0, v30  }
0xb2: {  	v3 =	vor.u32 v3, v4  }
0xb3: {  	v4 =	vperm.xlane v3, v0;
	_ =	sdelay $0x1  }
0xb4: {  	v3 =	vperm.xlane v3, v2;
	v4 =	vadd.s32 v1, v4;
	_ =	sdelay $0x1  }
0xb5: {  	v3 =	vadd.s32 v1, v3;
	_ =	sdelay $0x1  }
0xb6: {  	s9 =	simm.s32 $0xE680  }
0xb7: {  	[tilespmem:s9], [sflag:$0x2] =	stream.indirect_vreg.gather [hbm4b:s3+s2], $0x80, v4, vm0, $0xb8;
	[tilespmem:$0x1A680] =	vst v63  }
0xb8: {  	s9 =	simm.s32 $0xEE80  }
0xb9: {  	[tilespmem:s9], [sflag:$0x2] =	stream.indirect_vreg.gather [hbm4b:s3+s2], $0x80, v3, vm0, $0xb8;
	[tilespmem:$0x1A680] =	vst v63  }
0xba: {  	v3 =	vld [tilespmem:$0xF0];
	_ =	sdelay $0x4  }
0xbb: {  	v31 =	vshll.u32 v3, $0x1  }
0xbc: {  	v3 =	vand.u32 $0x7, v3;
	v4 =	vand.u32 $0xFFFFFFF0, v31  }
0xbd: {  	v3 =	vor.u32 v3, v4  }
0xbe: {  	v4 =	vperm.xlane v3, v0;
	_ =	sdelay $0x1  }
0xbf: {  	v3 =	vperm.xlane v3, v2;
	v4 =	vadd.s32 v1, v4;
	_ =	sdelay $0x1  }
0xc0: {  	v3 =	vadd.s32 v1, v3;
	_ =	sdelay $0x1  }
0xc1: {  	s9 =	simm.s32 $0xF680  }
0xc2: {  	[tilespmem:s9], [sflag:$0x2] =	stream.indirect_vreg.gather [hbm4b:s3+s2], $0x80, v4, vm0, $0xb8;
	[tilespmem:$0x1A680] =	vst v63  }
0xc3: {  	s9 =	simm.s32 $0xFE80  }
0xc4: {  	[tilespmem:s9], [sflag:$0x2] =	stream.indirect_vreg.gather [hbm4b:s3+s2], $0x80, v3, vm0, $0xb8;
	[tilespmem:$0x1A680] =	vst v63  }
0xc5: {  	v3 =	vld [tilespmem:$0x100];
	_ =	sdelay $0x4  }
0xc6: {  	v32 =	vshll.u32 v3, $0x1  }
0xc7: {  	v3 =	vand.u32 $0x7, v3;
	v4 =	vand.u32 $0xFFFFFFF0, v32  }
0xc8: {  	v3 =	vor.u32 v3, v4  }
0xc9: {  	v4 =	vperm.xlane v3, v0;
	_ =	sdelay $0x1  }
0xca: {  	v3 =	vperm.xlane v3, v2;
	v4 =	vadd.s32 v1, v4;
	_ =	sdelay $0x1  }
0xcb: {  	v3 =	vadd.s32 v1, v3;
	_ =	sdelay $0x1  }
0xcc: {  	s9 =	simm.s32 $0x10680  }
0xcd: {  	[tilespmem:s9], [sflag:$0x2] =	stream.indirect_vreg.gather [hbm4b:s3+s2], $0x80, v4, vm0, $0xb8;
	[tilespmem:$0x1A680] =	vst v63  }
0xce: {  	s9 =	simm.s32 $0x10E80  }
0xcf: {  	[tilespmem:s9], [sflag:$0x2] =	stream.indirect_vreg.gather [hbm4b:s3+s2], $0x80, v3, vm0, $0xb8;
	[tilespmem:$0x1A680] =	vst v63  }
0xd0: {  	v3 =	vld [tilespmem:$0x110];
	_ =	sdelay $0x4  }
0xd1: {  	v33 =	vshll.u32 v3, $0x1  }
0xd2: {  	v3 =	vand.u32 $0x7, v3;
	v4 =	vand.u32 $0xFFFFFFF0, v33  }
0xd3: {  	v3 =	vor.u32 v3, v4  }
0xd4: {  	v4 =	vperm.xlane v3, v0;
	_ =	sdelay $0x1  }
0xd5: {  	v3 =	vperm.xlane v3, v2;
	v4 =	vadd.s32 v1, v4;
	_ =	sdelay $0x1  }
0xd6: {  	v3 =	vadd.s32 v1, v3;
	_ =	sdelay $0x1  }
0xd7: {  	s9 =	simm.s32 $0x11680  }
0xd8: {  	[tilespmem:s9], [sflag:$0x2] =	stream.indirect_vreg.gather [hbm4b:s3+s2], $0x80, v4, vm0, $0xb8;
	[tilespmem:$0x1A680] =	vst v63  }
0xd9: {  	s9 =	simm.s32 $0x11E80  }
0xda: {  	[tilespmem:s9], [sflag:$0x2] =	stream.indirect_vreg.gather [hbm4b:s3+s2], $0x80, v3, vm0, $0xb8;
	[tilespmem:$0x1A680] =	vst v63  }
0xdb: {  	v3 =	vld [tilespmem:$0x120];
	_ =	sdelay $0x4  }
0xdc: {  	v34 =	vshll.u32 v3, $0x1  }
0xdd: {  	v3 =	vand.u32 $0x7, v3;
	v4 =	vand.u32 $0xFFFFFFF0, v34  }
0xde: {  	v3 =	vor.u32 v3, v4  }
0xdf: {  	v4 =	vperm.xlane v3, v0;
	_ =	sdelay $0x1  }
0xe0: {  	v3 =	vperm.xlane v3, v2;
	v4 =	vadd.s32 v1, v4;
	_ =	sdelay $0x1  }
0xe1: {  	v3 =	vadd.s32 v1, v3;
	_ =	sdelay $0x1  }
0xe2: {  	s9 =	simm.s32 $0x12680  }
0xe3: {  	[tilespmem:s9], [sflag:$0x2] =	stream.indirect_vreg.gather [hbm4b:s3+s2], $0x80, v4, vm0, $0xb8;
	[tilespmem:$0x1A680] =	vst v63  }
0xe4: {  	s9 =	simm.s32 $0x12E80  }
0xe5: {  	[tilespmem:s9], [sflag:$0x2] =	stream.indirect_vreg.gather [hbm4b:s3+s2], $0x80, v3, vm0, $0xb8;
	[tilespmem:$0x1A680] =	vst v63  }
0xe6: {  	v3 =	vld [tilespmem:$0x130];
	_ =	sdelay $0x4  }
0xe7: {  	v35 =	vshll.u32 v3, $0x1  }
0xe8: {  	v3 =	vand.u32 $0x7, v3;
	v4 =	vand.u32 $0xFFFFFFF0, v35  }
0xe9: {  	v3 =	vor.u32 v3, v4  }
0xea: {  	v4 =	vperm.xlane v3, v0;
	_ =	sdelay $0x1  }
0xeb: {  	v3 =	vperm.xlane v3, v2;
	v4 =	vadd.s32 v1, v4;
	_ =	sdelay $0x1  }
0xec: {  	v3 =	vadd.s32 v1, v3;
	_ =	sdelay $0x1  }
0xed: {  	s9 =	simm.s32 $0x13680  }
0xee: {  	[tilespmem:s9], [sflag:$0x2] =	stream.indirect_vreg.gather [hbm4b:s3+s2], $0x80, v4, vm0, $0xb8;
	[tilespmem:$0x1A680] =	vst v63  }
0xef: {  	s9 =	simm.s32 $0x13E80  }
0xf0: {  	[tilespmem:s9], [sflag:$0x2] =	stream.indirect_vreg.gather [hbm4b:s3+s2], $0x80, v3, vm0, $0xb8;
	[tilespmem:$0x1A680] =	vst v63  }
0xf1: {  	v3 =	vld [tilespmem:$0x140];
	_ =	sdelay $0x4  }
0xf2: {  	v36 =	vshll.u32 v3, $0x1  }
0xf3: {  	v3 =	vand.u32 $0x7, v3;
	v4 =	vand.u32 $0xFFFFFFF0, v36  }
0xf4: {  	v3 =	vor.u32 v3, v4  }
0xf5: {  	v4 =	vperm.xlane v3, v0;
	_ =	sdelay $0x1  }
0xf6: {  	v3 =	vperm.xlane v3, v2;
	v4 =	vadd.s32 v1, v4;
	_ =	sdelay $0x1  }
0xf7: {  	v3 =	vadd.s32 v1, v3;
	_ =	sdelay $0x1  }
0xf8: {  	s9 =	simm.s32 $0x14680  }
0xf9: {  	[tilespmem:s9], [sflag:$0x2] =	stream.indirect_vreg.gather [hbm4b:s3+s2], $0x80, v4, vm0, $0xb8;
	[tilespmem:$0x1A680] =	vst v63  }
0xfa: {  	s9 =	simm.s32 $0x14E80  }
0xfb: {  	[tilespmem:s9], [sflag:$0x2] =	stream.indirect_vreg.gather [hbm4b:s3+s2], $0x80, v3, vm0, $0xb8;
	[tilespmem:$0x1A680] =	vst v63  }
0xfc: {  	v3 =	vld [tilespmem:$0x150];
	_ =	sdelay $0x4  }
0xfd: {  	v37 =	vshll.u32 v3, $0x1  }
0xfe: {  	v3 =	vand.u32 $0x7, v3;
	v4 =	vand.u32 $0xFFFFFFF0, v37  }
0xff: {  	v3 =	vor.u32 v3, v4  }
0x100: {  	v4 =	vperm.xlane v3, v0;
	_ =	sdelay $0x1  }
0x101: {  	v3 =	vperm.xlane v3, v2;
	v4 =	vadd.s32 v1, v4;
	_ =	sdelay $0x1  }
0x102: {  	v3 =	vadd.s32 v1, v3;
	_ =	sdelay $0x1  }
0x103: {  	s9 =	simm.s32 $0x15680  }
0x104: {  	[tilespmem:s9], [sflag:$0x2] =	stream.indirect_vreg.gather [hbm4b:s3+s2], $0x80, v4, vm0, $0xb8;
	[tilespmem:$0x1A680] =	vst v63  }
0x105: {  	s9 =	simm.s32 $0x15E80  }
0x106: {  	[tilespmem:s9], [sflag:$0x2] =	stream.indirect_vreg.gather [hbm4b:s3+s2], $0x80, v3, vm0, $0xb8;
	[tilespmem:$0x1A680] =	vst v63  }
0x107: {  	v3 =	vld [tilespmem:$0x160];
	_ =	sdelay $0x4  }
0x108: {  	v38 =	vshll.u32 v3, $0x1  }
0x109: {  	v3 =	vand.u32 $0x7, v3;
	v4 =	vand.u32 $0xFFFFFFF0, v38  }
0x10a: {  	v3 =	vor.u32 v3, v4  }
0x10b: {  	v4 =	vperm.xlane v3, v0;
	_ =	sdelay $0x1  }
0x10c: {  	v3 =	vperm.xlane v3, v2;
	v4 =	vadd.s32 v1, v4;
	_ =	sdelay $0x1  }
0x10d: {  	v3 =	vadd.s32 v1, v3;
	_ =	sdelay $0x1  }
0x10e: {  	s9 =	simm.s32 $0x16680  }
0x10f: {  	[tilespmem:s9], [sflag:$0x2] =	stream.indirect_vreg.gather [hbm4b:s3+s2], $0x80, v4, vm0, $0xb8;
	[tilespmem:$0x1A680] =	vst v63  }
0x110: {  	s9 =	simm.s32 $0x16E80  }
0x111: {  	[tilespmem:s9], [sflag:$0x2] =	stream.indirect_vreg.gather [hbm4b:s3+s2], $0x80, v3, vm0, $0xb8;
	[tilespmem:$0x1A680] =	vst v63  }
0x112: {  	v3 =	vld [tilespmem:$0x170];
	_ =	sdelay $0x4  }
0x113: {  	v39 =	vshll.u32 v3, $0x1  }
0x114: {  	v3 =	vand.u32 $0x7, v3;
	v4 =	vand.u32 $0xFFFFFFF0, v39  }
0x115: {  	v3 =	vor.u32 v3, v4  }
0x116: {  	v4 =	vperm.xlane v3, v0;
	_ =	sdelay $0x1  }
0x117: {  	v3 =	vperm.xlane v3, v2;
	v4 =	vadd.s32 v1, v4;
	_ =	sdelay $0x1  }
0x118: {  	v3 =	vadd.s32 v1, v3;
	_ =	sdelay $0x1  }
0x119: {  	s9 =	simm.s32 $0x17680  }
0x11a: {  	[tilespmem:s9], [sflag:$0x2] =	stream.indirect_vreg.gather [hbm4b:s3+s2], $0x80, v4, vm0, $0xb8;
	[tilespmem:$0x1A680] =	vst v63  }
0x11b: {  	s9 =	simm.s32 $0x17E80  }
0x11c: {  	[tilespmem:s9], [sflag:$0x2] =	stream.indirect_vreg.gather [hbm4b:s3+s2], $0x80, v3, vm0, $0xb8;
	[tilespmem:$0x1A680] =	vst v63  }
0x11d: {  	v3 =	vld [tilespmem:$0x180];
	_ =	sdelay $0x4  }
0x11e: {  	v40 =	vshll.u32 v3, $0x1  }
0x11f: {  	v3 =	vand.u32 $0x7, v3;
	v4 =	vand.u32 $0xFFFFFFF0, v40  }
0x120: {  	v3 =	vor.u32 v3, v4  }
0x121: {  	v4 =	vperm.xlane v3, v0;
	_ =	sdelay $0x1  }
0x122: {  	v3 =	vperm.xlane v3, v2;
	v4 =	vadd.s32 v1, v4;
	_ =	sdelay $0x1  }
0x123: {  	v3 =	vadd.s32 v1, v3;
	_ =	sdelay $0x1  }
0x124: {  	s9 =	simm.s32 $0x18680  }
0x125: {  	[tilespmem:s9], [sflag:$0x2] =	stream.indirect_vreg.gather [hbm4b:s3+s2], $0x80, v4, vm0, $0xb8;
	[tilespmem:$0x1A680] =	vst v63  }
0x126: {  	s9 =	simm.s32 $0x18E80  }
0x127: {  	[tilespmem:s9], [sflag:$0x2] =	stream.indirect_vreg.gather [hbm4b:s3+s2], $0x80, v3, vm0, $0xb8;
	[tilespmem:$0x1A680] =	vst v63  }
0x128: {  	v3 =	vld [tilespmem:$0x190];
	_ =	sdelay $0x4  }
0x129: {  	v41 =	vshll.u32 v3, $0x1  }
0x12a: {  	v3 =	vand.u32 $0x7, v3;
	v4 =	vand.u32 $0xFFFFFFF0, v41  }
0x12b: {  	v3 =	vor.u32 v3, v4  }
0x12c: {  	v4 =	vperm.xlane v3, v0;
	_ =	sdelay $0x1  }
0x12d: {  	v3 =	vperm.xlane v3, v2;
	v4 =	vadd.s32 v1, v4;
	_ =	sdelay $0x1  }
0x12e: {  	v3 =	vadd.s32 v1, v3;
	_ =	sdelay $0x1  }
0x12f: {  	s9 =	simm.s32 $0x19680  }
0x130: {  	[tilespmem:s9], [sflag:$0x2] =	stream.indirect_vreg.gather [hbm4b:s3+s2], $0x80, v4, vm0, $0xb8;
	[tilespmem:$0x1A680] =	vst v63  }
0x131: {  	s9 =	simm.s32 $0x19E80  }
0x132: {  	[tilespmem:s9], [sflag:$0x2] =	stream.indirect_vreg.gather [hbm4b:s3+s2], $0x80, v3, vm0, $0xb8;
	[tilespmem:$0x1A680] =	vst v63  }
0x133: {  	_ =	swait.ge [sflag:s1], $0xD000  }
0x134: {  	[sflag:s1] =	ssyncset.done $0x0  }
0x135: {  	s9 =	rddreg [dreg:$0x4];
	[sflag:s1] =	ssyncadd.s32 $0xFFFF3000  }
0x136: {  	[hbm4b:s9+s2] =	stream.linear.scatter [tilespmem:s0], [sflag:$0x3], $0xD000, $0x38;
	[tilespmem:$0x1A680] =	vst v63  }
0x137: {  	_ =	swait.ge [sflag:s5], $0xD000  }
0x138: {  	[sflag:s5] =	ssyncset.done $0x0  }
0x139: {  	[sflag:s5] =	ssyncadd.s32 $0xFFFF3000  }
0x13a: {  	v3 =	vld [tilespmem:$0x1A0];
	_ =	sdelay $0x4  }
0x13b: {  	v42 =	vshll.u32 v3, $0x1  }
0x13c: {  	v3 =	vand.u32 $0x7, v3;
	v4 =	vand.u32 $0xFFFFFFF0, v42  }
0x13d: {  	v3 =	vor.u32 v3, v4  }
0x13e: {  	v4 =	vperm.xlane v3, v0;
	_ =	sdelay $0x1  }
0x13f: {  	v3 =	vperm.xlane v3, v2;
	v4 =	vadd.s32 v1, v4;
	_ =	sdelay $0x1  }
0x140: {  	v3 =	vadd.s32 v1, v3;
	_ =	sdelay $0x2  }
0x141: {  	[tilespmem:s0], [sflag:$0x1] =	stream.indirect_vreg.gather [hbm4b:s3+s2], $0x80, v4, vm0, $0xb8;
	[tilespmem:$0x1A680] =	vst v63  }
0x142: {  	s23 =	simm.s32 $0xE80  }
0x143: {  	[tilespmem:s23], [sflag:$0x1] =	stream.indirect_vreg.gather [hbm4b:s3+s2], $0x80, v3, vm0, $0xb8;
	[tilespmem:$0x1A680] =	vst v63  }
0x144: {  	v3 =	vld [tilespmem:$0x1B0];
	_ =	sdelay $0x4  }
0x145: {  	v43 =	vshll.u32 v3, $0x1  }
0x146: {  	v3 =	vand.u32 $0x7, v3;
	v4 =	vand.u32 $0xFFFFFFF0, v43  }
0x147: {  	v3 =	vor.u32 v3, v4  }
0x148: {  	v4 =	vperm.xlane v3, v0;
	_ =	sdelay $0x1  }
0x149: {  	v3 =	vperm.xlane v3, v2;
	v4 =	vadd.s32 v1, v4;
	_ =	sdelay $0x1  }
0x14a: {  	v3 =	vadd.s32 v1, v3;
	_ =	sdelay $0x1  }
0x14b: {  	s23 =	simm.s32 $0x1680  }
0x14c: {  	[tilespmem:s23], [sflag:$0x1] =	stream.indirect_vreg.gather [hbm4b:s3+s2], $0x80, v4, vm0, $0xb8;
	[tilespmem:$0x1A680] =	vst v63  }
0x14d: {  	s21 =	simm.s32 $0x1E80  }
0x14e: {  	[tilespmem:s21], [sflag:$0x1] =	stream.indirect_vreg.gather [hbm4b:s3+s2], $0x80, v3, vm0, $0xb8;
	[tilespmem:$0x1A680] =	vst v63  }
0x14f: {  	v3 =	vld [tilespmem:$0x1C0];
	_ =	sdelay $0x4  }
0x150: {  	v44 =	vshll.u32 v3, $0x1  }
0x151: {  	v3 =	vand.u32 $0x7, v3;
	v4 =	vand.u32 $0xFFFFFFF0, v44  }
0x152: {  	v3 =	vor.u32 v3, v4  }
0x153: {  	v4 =	vperm.xlane v3, v0;
	_ =	sdelay $0x1  }
0x154: {  	v3 =	vperm.xlane v3, v2;
	v4 =	vadd.s32 v1, v4;
	_ =	sdelay $0x1  }
0x155: {  	v3 =	vadd.s32 v1, v3;
	_ =	sdelay $0x1  }
0x156: {  	s21 =	simm.s32 $0x2680  }
0x157: {  	[tilespmem:s21], [sflag:$0x1] =	stream.indirect_vreg.gather [hbm4b:s3+s2], $0x80, v4, vm0, $0xb8;
	[tilespmem:$0x1A680] =	vst v63  }
0x158: {  	s22 =	simm.s32 $0x2E80  }
0x159: {  	[tilespmem:s22], [sflag:$0x1] =	stream.indirect_vreg.gather [hbm4b:s3+s2], $0x80, v3, vm0, $0xb8;
	[tilespmem:$0x1A680] =	vst v63  }
0x15a: {  	v3 =	vld [tilespmem:$0x1D0];
	_ =	sdelay $0x4  }
0x15b: {  	v45 =	vshll.u32 v3, $0x1  }
0x15c: {  	v3 =	vand.u32 $0x7, v3;
	v4 =	vand.u32 $0xFFFFFFF0, v45  }
0x15d: {  	v3 =	vor.u32 v3, v4  }
0x15e: {  	v4 =	vperm.xlane v3, v0;
	_ =	sdelay $0x1  }
0x15f: {  	v3 =	vperm.xlane v3, v2;
	v4 =	vadd.s32 v1, v4;
	_ =	sdelay $0x1  }
0x160: {  	v3 =	vadd.s32 v1, v3;
	_ =	sdelay $0x1  }
0x161: {  	s23 =	simm.s32 $0x3680  }
0x162: {  	[tilespmem:s23], [sflag:$0x1] =	stream.indirect_vreg.gather [hbm4b:s3+s2], $0x80, v4, vm0, $0xb8;
	[tilespmem:$0x1A680] =	vst v63  }
0x163: {  	s24 =	simm.s32 $0x3E80  }
0x164: {  	[tilespmem:s24], [sflag:$0x1] =	stream.indirect_vreg.gather [hbm4b:s3+s2], $0x80, v3, vm0, $0xb8;
	[tilespmem:$0x1A680] =	vst v63  }
0x165: {  	v3 =	vld [tilespmem:$0x1E0];
	_ =	sdelay $0x4  }
0x166: {  	v46 =	vshll.u32 v3, $0x1  }
0x167: {  	v3 =	vand.u32 $0x7, v3;
	v4 =	vand.u32 $0xFFFFFFF0, v46  }
0x168: {  	v3 =	vor.u32 v3, v4  }
0x169: {  	v4 =	vperm.xlane v3, v0;
	_ =	sdelay $0x1  }
0x16a: {  	v3 =	vperm.xlane v3, v2;
	v4 =	vadd.s32 v1, v4;
	_ =	sdelay $0x1  }
0x16b: {  	v3 =	vadd.s32 v1, v3;
	_ =	sdelay $0x1  }
0x16c: {  	s24 =	simm.s32 $0x4680  }
0x16d: {  	[tilespmem:s24], [sflag:$0x1] =	stream.indirect_vreg.gather [hbm4b:s3+s2], $0x80, v4, vm0, $0xb8;
	[tilespmem:$0x1A680] =	vst v63  }
0x16e: {  	s25 =	simm.s32 $0x4E80  }
0x16f: {  	[tilespmem:s25], [sflag:$0x1] =	stream.indirect_vreg.gather [hbm4b:s3+s2], $0x80, v3, vm0, $0xb8;
	[tilespmem:$0x1A680] =	vst v63  }
0x170: {  	v3 =	vld [tilespmem:$0x1F0];
	_ =	sdelay $0x4  }
0x171: {  	v47 =	vshll.u32 v3, $0x1  }
0x172: {  	v3 =	vand.u32 $0x7, v3;
	v4 =	vand.u32 $0xFFFFFFF0, v47  }
0x173: {  	v3 =	vor.u32 v3, v4  }
0x174: {  	v4 =	vperm.xlane v3, v0;
	_ =	sdelay $0x1  }
0x175: {  	v3 =	vperm.xlane v3, v2;
	v4 =	vadd.s32 v1, v4;
	_ =	sdelay $0x1  }
0x176: {  	v3 =	vadd.s32 v1, v3;
	_ =	sdelay $0x1  }
0x177: {  	s13 =	simm.s32 $0x5680  }
0x178: {  	[tilespmem:s13], [sflag:$0x1] =	stream.indirect_vreg.gather [hbm4b:s3+s2], $0x80, v4, vm0, $0xb8;
	[tilespmem:$0x1A680] =	vst v63  }
0x179: {  	s26 =	simm.s32 $0x5E80  }
0x17a: {  	[tilespmem:s26], [sflag:$0x1] =	stream.indirect_vreg.gather [hbm4b:s3+s2], $0x80, v3, vm0, $0xb8;
	[tilespmem:$0x1A680] =	vst v63  }
0x17b: {  	v3 =	vld [tilespmem:$0x200];
	_ =	sdelay $0x4  }
0x17c: {  	v48 =	vshll.u32 v3, $0x1  }
0x17d: {  	v3 =	vand.u32 $0x7, v3;
	v4 =	vand.u32 $0xFFFFFFF0, v48  }
0x17e: {  	v3 =	vor.u32 v3, v4  }
0x17f: {  	v4 =	vperm.xlane v3, v0;
	_ =	sdelay $0x1  }
0x180: {  	v3 =	vperm.xlane v3, v2;
	v4 =	vadd.s32 v1, v4;
	_ =	sdelay $0x1  }
0x181: {  	v3 =	vadd.s32 v1, v3;
	_ =	sdelay $0x1  }
0x182: {  	s14 =	simm.s32 $0x6680  }
0x183: {  	[tilespmem:s14], [sflag:$0x1] =	stream.indirect_vreg.gather [hbm4b:s3+s2], $0x80, v4, vm0, $0xb8;
	[tilespmem:$0x1A680] =	vst v63  }
0x184: {  	s28 =	simm.s32 $0x6E80  }
0x185: {  	[tilespmem:s28], [sflag:$0x1] =	stream.indirect_vreg.gather [hbm4b:s3+s2], $0x80, v3, vm0, $0xb8;
	[tilespmem:$0x1A680] =	vst v63  }
0x186: {  	v3 =	vld [tilespmem:$0x210];
	_ =	sdelay $0x4  }
0x187: {  	v49 =	vshll.u32 v3, $0x1  }
0x188: {  	v3 =	vand.u32 $0x7, v3;
	v4 =	vand.u32 $0xFFFFFFF0, v49  }
0x189: {  	v3 =	vor.u32 v3, v4  }
0x18a: {  	v4 =	vperm.xlane v3, v0;
	_ =	sdelay $0x1  }
0x18b: {  	v3 =	vperm.xlane v3, v2;
	v4 =	vadd.s32 v1, v4;
	_ =	sdelay $0x1  }
0x18c: {  	v3 =	vadd.s32 v1, v3;
	_ =	sdelay $0x1  }
0x18d: {  	s15 =	simm.s32 $0x7680  }
0x18e: {  	[tilespmem:s15], [sflag:$0x1] =	stream.indirect_vreg.gather [hbm4b:s3+s2], $0x80, v4, vm0, $0xb8;
	[tilespmem:$0x1A680] =	vst v63  }
0x18f: {  	s29 =	simm.s32 $0x7E80  }
0x190: {  	[tilespmem:s29], [sflag:$0x1] =	stream.indirect_vreg.gather [hbm4b:s3+s2], $0x80, v3, vm0, $0xb8;
	[tilespmem:$0x1A680] =	vst v63  }
0x191: {  	v3 =	vld [tilespmem:$0x220];
	_ =	sdelay $0x4  }
0x192: {  	v50 =	vshll.u32 v3, $0x1  }
0x193: {  	v3 =	vand.u32 $0x7, v3;
	v4 =	vand.u32 $0xFFFFFFF0, v50  }
0x194: {  	v3 =	vor.u32 v3, v4  }
0x195: {  	v4 =	vperm.xlane v3, v0;
	_ =	sdelay $0x1  }
0x196: {  	v3 =	vperm.xlane v3, v2;
	v4 =	vadd.s32 v1, v4;
	_ =	sdelay $0x1  }
0x197: {  	v3 =	vadd.s32 v1, v3;
	_ =	sdelay $0x1  }
0x198: {  	s16 =	simm.s32 $0x8680  }
0x199: {  	[tilespmem:s16], [sflag:$0x1] =	stream.indirect_vreg.gather [hbm4b:s3+s2], $0x80, v4, vm0, $0xb8;
	[tilespmem:$0x1A680] =	vst v63  }
0x19a: {  	s30 =	simm.s32 $0x8E80  }
0x19b: {  	[tilespmem:s30], [sflag:$0x1] =	stream.indirect_vreg.gather [hbm4b:s3+s2], $0x80, v3, vm0, $0xb8;
	[tilespmem:$0x1A680] =	vst v63  }
0x19c: {  	v3 =	vld [tilespmem:$0x230];
	_ =	sdelay $0x4  }
0x19d: {  	v51 =	vshll.u32 v3, $0x1  }
0x19e: {  	v3 =	vand.u32 $0x7, v3;
	v4 =	vand.u32 $0xFFFFFFF0, v51  }
0x19f: {  	v3 =	vor.u32 v3, v4  }
0x1a0: {  	v4 =	vperm.xlane v3, v0;
	_ =	sdelay $0x1  }
0x1a1: {  	v3 =	vperm.xlane v3, v2;
	v4 =	vadd.s32 v1, v4;
	_ =	sdelay $0x1  }
0x1a2: {  	v3 =	vadd.s32 v1, v3;
	_ =	sdelay $0x1  }
0x1a3: {  	s17 =	simm.s32 $0x9680  }
0x1a4: {  	[tilespmem:s17], [sflag:$0x1] =	stream.indirect_vreg.gather [hbm4b:s3+s2], $0x80, v4, vm0, $0xb8;
	[tilespmem:$0x1A680] =	vst v63  }
0x1a5: {  	s31 =	simm.s32 $0x9E80  }
0x1a6: {  	[tilespmem:s31], [sflag:$0x1] =	stream.indirect_vreg.gather [hbm4b:s3+s2], $0x80, v3, vm0, $0xb8;
	[tilespmem:$0x1A680] =	vst v63  }
0x1a7: {  	v3 =	vld [tilespmem:$0x240];
	_ =	sdelay $0x4  }
0x1a8: {  	v52 =	vshll.u32 v3, $0x1  }
0x1a9: {  	v3 =	vand.u32 $0x7, v3;
	v4 =	vand.u32 $0xFFFFFFF0, v52  }
0x1aa: {  	v3 =	vor.u32 v3, v4  }
0x1ab: {  	v4 =	vperm.xlane v3, v0;
	_ =	sdelay $0x1  }
0x1ac: {  	v3 =	vperm.xlane v3, v2;
	v4 =	vadd.s32 v1, v4;
	_ =	sdelay $0x1  }
0x1ad: {  	v3 =	vadd.s32 v1, v3;
	_ =	sdelay $0x1  }
0x1ae: {  	s18 =	simm.s32 $0xA680  }
0x1af: {  	[tilespmem:s18], [sflag:$0x1] =	stream.indirect_vreg.gather [hbm4b:s3+s2], $0x80, v4, vm0, $0xb8;
	[tilespmem:$0x1A680] =	vst v63  }
0x1b0: {  	s10 =	simm.s32 $0xAE80  }
0x1b1: {  	[tilespmem:s10], [sflag:$0x1] =	stream.indirect_vreg.gather [hbm4b:s3+s2], $0x80, v3, vm0, $0xb8;
	[tilespmem:$0x1A680] =	vst v63  }
0x1b2: {  	v3 =	vld [tilespmem:$0x250];
	_ =	sdelay $0x4  }
0x1b3: {  	v53 =	vshll.u32 v3, $0x1  }
0x1b4: {  	v3 =	vand.u32 $0x7, v3;
	v4 =	vand.u32 $0xFFFFFFF0, v53  }
0x1b5: {  	v3 =	vor.u32 v3, v4  }
0x1b6: {  	v4 =	vperm.xlane v3, v0;
	_ =	sdelay $0x1  }
0x1b7: {  	v3 =	vperm.xlane v3, v2;
	v4 =	vadd.s32 v1, v4;
	_ =	sdelay $0x1  }
0x1b8: {  	v3 =	vadd.s32 v1, v3;
	_ =	sdelay $0x1  }
0x1b9: {  	s19 =	simm.s32 $0xB680  }
0x1ba: {  	[tilespmem:s19], [sflag:$0x1] =	stream.indirect_vreg.gather [hbm4b:s3+s2], $0x80, v4, vm0, $0xb8;
	[tilespmem:$0x1A680] =	vst v63  }
0x1bb: {  	s11 =	simm.s32 $0xBE80  }
0x1bc: {  	[tilespmem:s11], [sflag:$0x1] =	stream.indirect_vreg.gather [hbm4b:s3+s2], $0x80, v3, vm0, $0xb8;
	[tilespmem:$0x1A680] =	vst v63  }
0x1bd: {  	v3 =	vld [tilespmem:$0x260];
	_ =	sdelay $0x4  }
0x1be: {  	v54 =	vshll.u32 v3, $0x1  }
0x1bf: {  	v3 =	vand.u32 $0x7, v3;
	v4 =	vand.u32 $0xFFFFFFF0, v54  }
0x1c0: {  	v3 =	vor.u32 v3, v4  }
0x1c1: {  	v4 =	vperm.xlane v3, v0;
	_ =	sdelay $0x1  }
0x1c2: {  	v3 =	vperm.xlane v3, v2;
	v4 =	vadd.s32 v1, v4;
	_ =	sdelay $0x1  }
0x1c3: {  	v3 =	vadd.s32 v1, v3;
	_ =	sdelay $0x1  }
0x1c4: {  	s20 =	simm.s32 $0xC680  }
0x1c5: {  	[tilespmem:s20], [sflag:$0x1] =	stream.indirect_vreg.gather [hbm4b:s3+s2], $0x80, v4, vm0, $0xb8;
	[tilespmem:$0x1A680] =	vst v63  }
0x1c6: {  	s12 =	simm.s32 $0xCE80  }
0x1c7: {  	[tilespmem:s12], [sflag:$0x1] =	stream.indirect_vreg.gather [hbm4b:s3+s2], $0x80, v3, vm0, $0xb8;
	[tilespmem:$0x1A680] =	vst v63  }
0x1c8: {  	_ =	swait.ge [sflag:s7], $0xD000  }
0x1c9: {  	[sflag:s7] =	ssyncset.done $0x0  }
0x1ca: {  	s28 =	rddreg [dreg:$0x5];
	[sflag:s7] =	ssyncadd.s32 $0xFFFF3000  }
0x1cb: {  	[hbm4b:s28+s2] =	stream.linear.scatter [tilespmem:s6], [sflag:$0x4], $0xD000, $0x38;
	[tilespmem:$0x1A680] =	vst v63  }
0x1cc: {  	_ =	swait.ge [sflag:s8], $0xD000  }
0x1cd: {  	[sflag:s8] =	ssyncset.done $0x0  }
0x1ce: {  	[sflag:s8] =	ssyncadd.s32 $0xFFFF3000  }
0x1cf: {  	v3 =	vld [tilespmem:$0x270];
	_ =	sdelay $0x4  }
0x1d0: {  	v55 =	vshll.u32 v3, $0x1  }
0x1d1: {  	v3 =	vand.u32 $0x7, v3;
	v4 =	vand.u32 $0xFFFFFFF0, v55  }
0x1d2: {  	v3 =	vor.u32 v3, v4  }
0x1d3: {  	v4 =	vperm.xlane v3, v0;
	_ =	sdelay $0x1  }
0x1d4: {  	v3 =	vperm.xlane v3, v2;
	v4 =	vadd.s32 v1, v4;
	_ =	sdelay $0x1  }
0x1d5: {  	v3 =	vadd.s32 v1, v3;
	_ =	sdelay $0x2  }
0x1d6: {  	[tilespmem:s6], [sflag:$0x2] =	stream.indirect_vreg.gather [hbm4b:s3+s2], $0x80, v4, vm0, $0xb8;
	[tilespmem:$0x1A680] =	vst v63  }
0x1d7: {  	s29 =	simm.s32 $0xDE80  }
0x1d8: {  	[tilespmem:s29], [sflag:$0x2] =	stream.indirect_vreg.gather [hbm4b:s3+s2], $0x80, v3, vm0, $0xb8;
	[tilespmem:$0x1A680] =	vst v63  }
0x1d9: {  	v3 =	vld [tilespmem:$0x280];
	_ =	sdelay $0x4  }
0x1da: {  	v56 =	vshll.u32 v3, $0x1  }
0x1db: {  	v3 =	vand.u32 $0x7, v3;
	v4 =	vand.u32 $0xFFFFFFF0, v56  }
0x1dc: {  	v3 =	vor.u32 v3, v4  }
0x1dd: {  	v4 =	vperm.xlane v3, v0;
	_ =	sdelay $0x1  }
0x1de: {  	v3 =	vperm.xlane v3, v2;
	v4 =	vadd.s32 v1, v4;
	_ =	sdelay $0x1  }
0x1df: {  	v3 =	vadd.s32 v1, v3;
	_ =	sdelay $0x1  }
0x1e0: {  	s30 =	simm.s32 $0xE680  }
0x1e1: {  	[tilespmem:s30], [sflag:$0x2] =	stream.indirect_vreg.gather [hbm4b:s3+s2], $0x80, v4, vm0, $0xb8;
	[tilespmem:$0x1A680] =	vst v63  }
0x1e2: {  	s31 =	simm.s32 $0xEE80  }
0x1e3: {  	[tilespmem:s31], [sflag:$0x2] =	stream.indirect_vreg.gather [hbm4b:s3+s2], $0x80, v3, vm0, $0xb8;
	[tilespmem:$0x1A680] =	vst v63  }
0x1e4: {  	v3 =	vld [tilespmem:$0x290];
	_ =	sdelay $0x4  }
0x1e5: {  	v57 =	vshll.u32 v3, $0x1  }
0x1e6: {  	v3 =	vand.u32 $0x7, v3;
	v4 =	vand.u32 $0xFFFFFFF0, v57  }
0x1e7: {  	v3 =	vor.u32 v3, v4  }
0x1e8: {  	v4 =	vperm.xlane v3, v0;
	_ =	sdelay $0x1  }
0x1e9: {  	v3 =	vperm.xlane v3, v2;
	v4 =	vadd.s32 v1, v4;
	_ =	sdelay $0x1  }
0x1ea: {  	v3 =	vadd.s32 v1, v3;
	_ =	sdelay $0x1  }
0x1eb: {  	s11 =	simm.s32 $0xF680  }
0x1ec: {  	[tilespmem:s11], [sflag:$0x2] =	stream.indirect_vreg.gather [hbm4b:s3+s2], $0x80, v4, vm0, $0xb8;
	[tilespmem:$0x1A680] =	vst v63  }
0x1ed: {  	s12 =	simm.s32 $0xFE80  }
0x1ee: {  	[tilespmem:s12], [sflag:$0x2] =	stream.indirect_vreg.gather [hbm4b:s3+s2], $0x80, v3, vm0, $0xb8;
	[tilespmem:$0x1A680] =	vst v63  }
0x1ef: {  	v3 =	vld [tilespmem:$0x2A0];
	_ =	sdelay $0x4  }
0x1f0: {  	v58 =	vshll.u32 v3, $0x1  }
0x1f1: {  	v3 =	vand.u32 $0x7, v3;
	v4 =	vand.u32 $0xFFFFFFF0, v58  }
0x1f2: {  	v3 =	vor.u32 v3, v4  }
0x1f3: {  	v4 =	vperm.xlane v3, v0;
	_ =	sdelay $0x1  }
0x1f4: {  	v3 =	vperm.xlane v3, v2;
	v4 =	vadd.s32 v1, v4;
	_ =	sdelay $0x1  }
0x1f5: {  	v3 =	vadd.s32 v1, v3;
	_ =	sdelay $0x1  }
0x1f6: {  	s13 =	simm.s32 $0x10680  }
0x1f7: {  	[tilespmem:s13], [sflag:$0x2] =	stream.indirect_vreg.gather [hbm4b:s3+s2], $0x80, v4, vm0, $0xb8;
	[tilespmem:$0x1A680] =	vst v63  }
0x1f8: {  	s14 =	simm.s32 $0x10E80  }
0x1f9: {  	[tilespmem:s14], [sflag:$0x2] =	stream.indirect_vreg.gather [hbm4b:s3+s2], $0x80, v3, vm0, $0xb8;
	[tilespmem:$0x1A680] =	vst v63  }
0x1fa: {  	v3 =	vld [tilespmem:$0x2B0];
	_ =	sdelay $0x4  }
0x1fb: {  	v59 =	vshll.u32 v3, $0x1  }
0x1fc: {  	v3 =	vand.u32 $0x7, v3;
	v4 =	vand.u32 $0xFFFFFFF0, v59  }
0x1fd: {  	v3 =	vor.u32 v3, v4  }
0x1fe: {  	v4 =	vperm.xlane v3, v0;
	_ =	sdelay $0x1  }
0x1ff: {  	v3 =	vperm.xlane v3, v2;
	v4 =	vadd.s32 v1, v4;
	_ =	sdelay $0x1  }
0x200: {  	v3 =	vadd.s32 v1, v3;
	_ =	sdelay $0x1  }
0x201: {  	s15 =	simm.s32 $0x11680  }
0x202: {  	[tilespmem:s15], [sflag:$0x2] =	stream.indirect_vreg.gather [hbm4b:s3+s2], $0x80, v4, vm0, $0xb8;
	[tilespmem:$0x1A680] =	vst v63  }
0x203: {  	s16 =	simm.s32 $0x11E80  }
0x204: {  	[tilespmem:s16], [sflag:$0x2] =	stream.indirect_vreg.gather [hbm4b:s3+s2], $0x80, v3, vm0, $0xb8;
	[tilespmem:$0x1A680] =	vst v63  }
0x205: {  	v3 =	vld [tilespmem:$0x2C0];
	_ =	sdelay $0x4  }
0x206: {  	v60 =	vshll.u32 v3, $0x1  }
0x207: {  	v3 =	vand.u32 $0x7, v3;
	v4 =	vand.u32 $0xFFFFFFF0, v60  }
0x208: {  	v3 =	vor.u32 v3, v4  }
0x209: {  	v4 =	vperm.xlane v3, v0;
	_ =	sdelay $0x1  }
0x20a: {  	v3 =	vperm.xlane v3, v2;
	v4 =	vadd.s32 v1, v4;
	_ =	sdelay $0x1  }
0x20b: {  	v3 =	vadd.s32 v1, v3;
	_ =	sdelay $0x1  }
0x20c: {  	s17 =	simm.s32 $0x12680  }
0x20d: {  	[tilespmem:s17], [sflag:$0x2] =	stream.indirect_vreg.gather [hbm4b:s3+s2], $0x80, v4, vm0, $0xb8;
	[tilespmem:$0x1A680] =	vst v63  }
0x20e: {  	s18 =	simm.s32 $0x12E80  }
0x20f: {  	[tilespmem:s18], [sflag:$0x2] =	stream.indirect_vreg.gather [hbm4b:s3+s2], $0x80, v3, vm0, $0xb8;
	[tilespmem:$0x1A680] =	vst v63  }
0x210: {  	v3 =	vld [tilespmem:$0x2D0];
	_ =	sdelay $0x4  }
0x211: {  	v61 =	vshll.u32 v3, $0x1  }
0x212: {  	v3 =	vand.u32 $0x7, v3;
	v4 =	vand.u32 $0xFFFFFFF0, v61  }
0x213: {  	v3 =	vor.u32 v3, v4  }
0x214: {  	v4 =	vperm.xlane v3, v0;
	_ =	sdelay $0x1  }
0x215: {  	v3 =	vperm.xlane v3, v2;
	v4 =	vadd.s32 v1, v4;
	_ =	sdelay $0x1  }
0x216: {  	v3 =	vadd.s32 v1, v3;
	_ =	sdelay $0x1  }
0x217: {  	s19 =	simm.s32 $0x13680  }
0x218: {  	[tilespmem:s19], [sflag:$0x2] =	stream.indirect_vreg.gather [hbm4b:s3+s2], $0x80, v4, vm0, $0xb8;
	[tilespmem:$0x1A680] =	vst v63  }
0x219: {  	s20 =	simm.s32 $0x13E80  }
0x21a: {  	[tilespmem:s20], [sflag:$0x2] =	stream.indirect_vreg.gather [hbm4b:s3+s2], $0x80, v3, vm0, $0xb8;
	[tilespmem:$0x1A680] =	vst v63  }
0x21b: {  	v3 =	vld [tilespmem:$0x2E0];
	_ =	sdelay $0x4  }
0x21c: {  	v62 =	vshll.u32 v3, $0x1  }
0x21d: {  	v3 =	vand.u32 $0x7, v3;
	v4 =	vand.u32 $0xFFFFFFF0, v62  }
0x21e: {  	v3 =	vor.u32 v3, v4  }
0x21f: {  	v4 =	vperm.xlane v3, v0;
	_ =	sdelay $0x1  }
0x220: {  	v3 =	vperm.xlane v3, v2;
	v4 =	vadd.s32 v1, v4;
	_ =	sdelay $0x1  }
0x221: {  	v3 =	vadd.s32 v1, v3;
	_ =	sdelay $0x1  }
0x222: {  	s21 =	simm.s32 $0x14680  }
0x223: {  	[tilespmem:s21], [sflag:$0x2] =	stream.indirect_vreg.gather [hbm4b:s3+s2], $0x80, v4, vm0, $0xb8;
	[tilespmem:$0x1A680] =	vst v63  }
0x224: {  	s29 =	simm.s32 $0x14E80  }
0x225: {  	[tilespmem:s29], [sflag:$0x2] =	stream.indirect_vreg.gather [hbm4b:s3+s2], $0x80, v3, vm0, $0xb8;
	[tilespmem:$0x1A680] =	vst v63  }
0x226: {  	v3 =	vld [tilespmem:$0x2F0];
	_ =	sdelay $0x4  }
0x227: {  	v63 =	vshll.u32 v3, $0x1  }
0x228: {  	v3 =	vand.u32 $0x7, v3;
	v4 =	vand.u32 $0xFFFFFFF0, v63  }
0x229: {  	v3 =	vor.u32 v3, v4  }
0x22a: {  	v4 =	vperm.xlane v3, v0;
	_ =	sdelay $0x1  }
0x22b: {  	v3 =	vperm.xlane v3, v2;
	v4 =	vadd.s32 v1, v4;
	_ =	sdelay $0x1  }
0x22c: {  	v3 =	vadd.s32 v1, v3;
	_ =	sdelay $0x1  }
0x22d: {  	s30 =	simm.s32 $0x15680  }
0x22e: {  	[tilespmem:s30], [sflag:$0x2] =	stream.indirect_vreg.gather [hbm4b:s3+s2], $0x80, v4, vm0, $0xb8;
	[tilespmem:$0x1A680] =	vst v63  }
0x22f: {  	s31 =	simm.s32 $0x15E80  }
0x230: {  	[tilespmem:s31], [sflag:$0x2] =	stream.indirect_vreg.gather [hbm4b:s3+s2], $0x80, v3, vm0, $0xb8;
	[tilespmem:$0x1A680] =	vst v63  }
0x231: {  	v3 =	vld [tilespmem:$0x300];
	_ =	sdelay $0x4  }
0x232: {  	v8 =	vshll.u32 v3, $0x1  }
0x233: {  	v3 =	vand.u32 $0x7, v3;
	v4 =	vand.u32 $0xFFFFFFF0, v8  }
0x234: {  	v3 =	vor.u32 v3, v4  }
0x235: {  	v4 =	vperm.xlane v3, v0;
	_ =	sdelay $0x1  }
0x236: {  	v3 =	vperm.xlane v3, v2;
	v4 =	vadd.s32 v1, v4;
	_ =	sdelay $0x1  }
0x237: {  	v3 =	vadd.s32 v1, v3;
	_ =	sdelay $0x1  }
0x238: {  	s18 =	simm.s32 $0x16680  }
0x239: {  	[tilespmem:s18], [sflag:$0x2] =	stream.indirect_vreg.gather [hbm4b:s3+s2], $0x80, v4, vm0, $0xb8;
	[tilespmem:$0x1A680] =	vst v63  }
0x23a: {  	s19 =	simm.s32 $0x16E80  }
0x23b: {  	[tilespmem:s19], [sflag:$0x2] =	stream.indirect_vreg.gather [hbm4b:s3+s2], $0x80, v3, vm0, $0xb8;
	[tilespmem:$0x1A680] =	vst v63  }
0x23c: {  	v3 =	vld [tilespmem:$0x310];
	_ =	sdelay $0x4  }
0x23d: {  	v9 =	vshll.u32 v3, $0x1  }
0x23e: {  	v3 =	vand.u32 $0x7, v3;
	v4 =	vand.u32 $0xFFFFFFF0, v9  }
0x23f: {  	v3 =	vor.u32 v3, v4  }
0x240: {  	v4 =	vperm.xlane v3, v0;
	_ =	sdelay $0x1  }
0x241: {  	v3 =	vperm.xlane v3, v2;
	v4 =	vadd.s32 v1, v4;
	_ =	sdelay $0x1  }
0x242: {  	v3 =	vadd.s32 v1, v3;
	_ =	sdelay $0x1  }
0x243: {  	s20 =	simm.s32 $0x17680  }
0x244: {  	[tilespmem:s20], [sflag:$0x2] =	stream.indirect_vreg.gather [hbm4b:s3+s2], $0x80, v4, vm0, $0xb8;
	[tilespmem:$0x1A680] =	vst v63  }
0x245: {  	s21 =	simm.s32 $0x17E80  }
0x246: {  	[tilespmem:s21], [sflag:$0x2] =	stream.indirect_vreg.gather [hbm4b:s3+s2], $0x80, v3, vm0, $0xb8;
	[tilespmem:$0x1A680] =	vst v63  }
0x247: {  	v3 =	vld [tilespmem:$0x320];
	_ =	sdelay $0x4  }
0x248: {  	v10 =	vshll.u32 v3, $0x1  }
0x249: {  	v3 =	vand.u32 $0x7, v3;
	v4 =	vand.u32 $0xFFFFFFF0, v10  }
0x24a: {  	v3 =	vor.u32 v3, v4  }
0x24b: {  	v4 =	vperm.xlane v3, v0;
	_ =	sdelay $0x1  }
0x24c: {  	v3 =	vperm.xlane v3, v2;
	v4 =	vadd.s32 v1, v4;
	_ =	sdelay $0x1  }
0x24d: {  	v3 =	vadd.s32 v1, v3;
	_ =	sdelay $0x1  }
0x24e: {  	s20 =	simm.s32 $0x18680  }
0x24f: {  	[tilespmem:s20], [sflag:$0x2] =	stream.indirect_vreg.gather [hbm4b:s3+s2], $0x80, v4, vm0, $0xb8;
	[tilespmem:$0x1A680] =	vst v63  }
0x250: {  	s21 =	simm.s32 $0x18E80  }
0x251: {  	[tilespmem:s21], [sflag:$0x2] =	stream.indirect_vreg.gather [hbm4b:s3+s2], $0x80, v3, vm0, $0xb8;
	[tilespmem:$0x1A680] =	vst v63  }
0x252: {  	v3 =	vld [tilespmem:$0x330];
	_ =	sdelay $0x4  }
0x253: {  	v11 =	vshll.u32 v3, $0x1  }
0x254: {  	v3 =	vand.u32 $0x7, v3;
	v4 =	vand.u32 $0xFFFFFFF0, v11  }
0x255: {  	v3 =	vor.u32 v3, v4  }
0x256: {  	v4 =	vperm.xlane v3, v0;
	_ =	sdelay $0x1  }
0x257: {  	v3 =	vperm.xlane v3, v2;
	v4 =	vadd.s32 v1, v4;
	_ =	sdelay $0x1  }
0x258: {  	v3 =	vadd.s32 v1, v3;
	_ =	sdelay $0x1  }
0x259: {  	s21 =	simm.s32 $0x19680  }
0x25a: {  	[tilespmem:s21], [sflag:$0x2] =	stream.indirect_vreg.gather [hbm4b:s3+s2], $0x80, v4, vm0, $0xb8;
	[tilespmem:$0x1A680] =	vst v63  }
0x25b: {  	s9 =	simm.s32 $0x19E80  }
0x25c: {  	[tilespmem:s9], [sflag:$0x2] =	stream.indirect_vreg.gather [hbm4b:s3+s2], $0x80, v3, vm0, $0xb8;
	[tilespmem:$0x1A680] =	vst v63  }
0x25d: {  	_ =	swait.ge [sflag:s1], $0xD000  }
0x25e: {  	[sflag:s1] =	ssyncset.done $0x0  }
0x25f: {  	s9 =	rddreg [dreg:$0x6];
	[sflag:s1] =	ssyncadd.s32 $0xFFFF3000  }
0x260: {  	[hbm4b:s9+s2] =	stream.linear.scatter [tilespmem:s0], [sflag:$0x3], $0xD000, $0x38;
	[tilespmem:$0x1A680] =	vst v63  }
0x261: {  	_ =	swait.ge [sflag:s5], $0xD000  }
0x262: {  	[sflag:s5] =	ssyncset.done $0x0  }
0x263: {  	[sflag:s5] =	ssyncadd.s32 $0xFFFF3000  }
0x264: {  	v3 =	vld [tilespmem:$0x340];
	_ =	sdelay $0x4  }
0x265: {  	v12 =	vshll.u32 v3, $0x1  }
0x266: {  	v3 =	vand.u32 $0x7, v3;
	v4 =	vand.u32 $0xFFFFFFF0, v12  }
0x267: {  	v3 =	vor.u32 v3, v4  }
0x268: {  	v4 =	vperm.xlane v3, v0;
	_ =	sdelay $0x1  }
0x269: {  	v3 =	vperm.xlane v3, v2;
	v4 =	vadd.s32 v1, v4;
	_ =	sdelay $0x1  }
0x26a: {  	v3 =	vadd.s32 v1, v3;
	_ =	sdelay $0x2  }
0x26b: {  	[tilespmem:s0], [sflag:$0x1] =	stream.indirect_vreg.gather [hbm4b:s3+s2], $0x80, v4, vm0, $0xb8;
	[tilespmem:$0x1A680] =	vst v63  }
0x26c: {  	s9 =	simm.s32 $0xE80  }
0x26d: {  	[tilespmem:s9], [sflag:$0x1] =	stream.indirect_vreg.gather [hbm4b:s3+s2], $0x80, v3, vm0, $0xb8;
	[tilespmem:$0x1A680] =	vst v63  }
0x26e: {  	v3 =	vld [tilespmem:$0x350];
	_ =	sdelay $0x4  }
0x26f: {  	v13 =	vshll.u32 v3, $0x1  }
0x270: {  	v3 =	vand.u32 $0x7, v3;
	v4 =	vand.u32 $0xFFFFFFF0, v13  }
0x271: {  	v3 =	vor.u32 v3, v4  }
0x272: {  	v4 =	vperm.xlane v3, v0;
	_ =	sdelay $0x1  }
0x273: {  	v3 =	vperm.xlane v3, v2;
	v4 =	vadd.s32 v1, v4;
	_ =	sdelay $0x1  }
0x274: {  	v3 =	vadd.s32 v1, v3;
	_ =	sdelay $0x1  }
0x275: {  	s9 =	simm.s32 $0x1680  }
0x276: {  	[tilespmem:s9], [sflag:$0x1] =	stream.indirect_vreg.gather [hbm4b:s3+s2], $0x80, v4, vm0, $0xb8;
	[tilespmem:$0x1A680] =	vst v63  }
0x277: {  	s9 =	simm.s32 $0x1E80  }
0x278: {  	[tilespmem:s9], [sflag:$0x1] =	stream.indirect_vreg.gather [hbm4b:s3+s2], $0x80, v3, vm0, $0xb8;
	[tilespmem:$0x1A680] =	vst v63  }
0x279: {  	v3 =	vld [tilespmem:$0x360];
	_ =	sdelay $0x4  }
0x27a: {  	v14 =	vshll.u32 v3, $0x1  }
0x27b: {  	v3 =	vand.u32 $0x7, v3;
	v4 =	vand.u32 $0xFFFFFFF0, v14  }
0x27c: {  	v3 =	vor.u32 v3, v4  }
0x27d: {  	v4 =	vperm.xlane v3, v0;
	_ =	sdelay $0x1  }
0x27e: {  	v3 =	vperm.xlane v3, v2;
	v4 =	vadd.s32 v1, v4;
	_ =	sdelay $0x1  }
0x27f: {  	v3 =	vadd.s32 v1, v3;
	_ =	sdelay $0x1  }
0x280: {  	s9 =	simm.s32 $0x2680  }
0x281: {  	[tilespmem:s9], [sflag:$0x1] =	stream.indirect_vreg.gather [hbm4b:s3+s2], $0x80, v4, vm0, $0xb8;
	[tilespmem:$0x1A680] =	vst v63  }
0x282: {  	s9 =	simm.s32 $0x2E80  }
0x283: {  	[tilespmem:s9], [sflag:$0x1] =	stream.indirect_vreg.gather [hbm4b:s3+s2], $0x80, v3, vm0, $0xb8;
	[tilespmem:$0x1A680] =	vst v63  }
0x284: {  	v3 =	vld [tilespmem:$0x370];
	_ =	sdelay $0x4  }
0x285: {  	v15 =	vshll.u32 v3, $0x1  }
0x286: {  	v3 =	vand.u32 $0x7, v3;
	v4 =	vand.u32 $0xFFFFFFF0, v15  }
0x287: {  	v3 =	vor.u32 v3, v4  }
0x288: {  	v4 =	vperm.xlane v3, v0;
	_ =	sdelay $0x1  }
0x289: {  	v3 =	vperm.xlane v3, v2;
	v4 =	vadd.s32 v1, v4;
	_ =	sdelay $0x1  }
0x28a: {  	v3 =	vadd.s32 v1, v3;
	_ =	sdelay $0x1  }
0x28b: {  	s9 =	simm.s32 $0x3680  }
0x28c: {  	[tilespmem:s9], [sflag:$0x1] =	stream.indirect_vreg.gather [hbm4b:s3+s2], $0x80, v4, vm0, $0xb8;
	[tilespmem:$0x1A680] =	vst v63  }
0x28d: {  	s9 =	simm.s32 $0x3E80  }
0x28e: {  	[tilespmem:s9], [sflag:$0x1] =	stream.indirect_vreg.gather [hbm4b:s3+s2], $0x80, v3, vm0, $0xb8;
	[tilespmem:$0x1A680] =	vst v63  }
0x28f: {  	v3 =	vld [tilespmem:$0x380];
	_ =	sdelay $0x4  }
0x290: {  	v16 =	vshll.u32 v3, $0x1  }
0x291: {  	v3 =	vand.u32 $0x7, v3;
	v4 =	vand.u32 $0xFFFFFFF0, v16  }
0x292: {  	v3 =	vor.u32 v3, v4  }
0x293: {  	v4 =	vperm.xlane v3, v0;
	_ =	sdelay $0x1  }
0x294: {  	v3 =	vperm.xlane v3, v2;
	v4 =	vadd.s32 v1, v4;
	_ =	sdelay $0x1  }
0x295: {  	v3 =	vadd.s32 v1, v3;
	_ =	sdelay $0x1  }
0x296: {  	s9 =	simm.s32 $0x4680  }
0x297: {  	[tilespmem:s9], [sflag:$0x1] =	stream.indirect_vreg.gather [hbm4b:s3+s2], $0x80, v4, vm0, $0xb8;
	[tilespmem:$0x1A680] =	vst v63  }
0x298: {  	s9 =	simm.s32 $0x4E80  }
0x299: {  	[tilespmem:s9], [sflag:$0x1] =	stream.indirect_vreg.gather [hbm4b:s3+s2], $0x80, v3, vm0, $0xb8;
	[tilespmem:$0x1A680] =	vst v63  }
0x29a: {  	v3 =	vld [tilespmem:$0x390];
	_ =	sdelay $0x4  }
0x29b: {  	v17 =	vshll.u32 v3, $0x1  }
0x29c: {  	v3 =	vand.u32 $0x7, v3;
	v4 =	vand.u32 $0xFFFFFFF0, v17  }
0x29d: {  	v3 =	vor.u32 v3, v4  }
0x29e: {  	v4 =	vperm.xlane v3, v0;
	_ =	sdelay $0x1  }
0x29f: {  	v3 =	vperm.xlane v3, v2;
	v4 =	vadd.s32 v1, v4;
	_ =	sdelay $0x1  }
0x2a0: {  	v3 =	vadd.s32 v1, v3;
	_ =	sdelay $0x1  }
0x2a1: {  	s9 =	simm.s32 $0x5680  }
0x2a2: {  	[tilespmem:s9], [sflag:$0x1] =	stream.indirect_vreg.gather [hbm4b:s3+s2], $0x80, v4, vm0, $0xb8;
	[tilespmem:$0x1A680] =	vst v63  }
0x2a3: {  	s9 =	simm.s32 $0x5E80  }
0x2a4: {  	[tilespmem:s9], [sflag:$0x1] =	stream.indirect_vreg.gather [hbm4b:s3+s2], $0x80, v3, vm0, $0xb8;
	[tilespmem:$0x1A680] =	vst v63  }
0x2a5: {  	v3 =	vld [tilespmem:$0x3A0];
	_ =	sdelay $0x4  }
0x2a6: {  	v18 =	vshll.u32 v3, $0x1  }
0x2a7: {  	v3 =	vand.u32 $0x7, v3;
	v4 =	vand.u32 $0xFFFFFFF0, v18  }
0x2a8: {  	v3 =	vor.u32 v3, v4  }
0x2a9: {  	v4 =	vperm.xlane v3, v0;
	_ =	sdelay $0x1  }
0x2aa: {  	v3 =	vperm.xlane v3, v2;
	v4 =	vadd.s32 v1, v4;
	_ =	sdelay $0x1  }
0x2ab: {  	v3 =	vadd.s32 v1, v3;
	_ =	sdelay $0x1  }
0x2ac: {  	s9 =	simm.s32 $0x6680  }
0x2ad: {  	[tilespmem:s9], [sflag:$0x1] =	stream.indirect_vreg.gather [hbm4b:s3+s2], $0x80, v4, vm0, $0xb8;
	[tilespmem:$0x1A680] =	vst v63  }
0x2ae: {  	s9 =	simm.s32 $0x6E80  }
0x2af: {  	[tilespmem:s9], [sflag:$0x1] =	stream.indirect_vreg.gather [hbm4b:s3+s2], $0x80, v3, vm0, $0xb8;
	[tilespmem:$0x1A680] =	vst v63  }
0x2b0: {  	v3 =	vld [tilespmem:$0x3B0];
	_ =	sdelay $0x4  }
0x2b1: {  	v19 =	vshll.u32 v3, $0x1  }
0x2b2: {  	v3 =	vand.u32 $0x7, v3;
	v4 =	vand.u32 $0xFFFFFFF0, v19  }
0x2b3: {  	v3 =	vor.u32 v3, v4  }
0x2b4: {  	v4 =	vperm.xlane v3, v0;
	_ =	sdelay $0x1  }
0x2b5: {  	v3 =	vperm.xlane v3, v2;
	v4 =	vadd.s32 v1, v4;
	_ =	sdelay $0x1  }
0x2b6: {  	v3 =	vadd.s32 v1, v3;
	_ =	sdelay $0x1  }
0x2b7: {  	s9 =	simm.s32 $0x7680  }
0x2b8: {  	[tilespmem:s9], [sflag:$0x1] =	stream.indirect_vreg.gather [hbm4b:s3+s2], $0x80, v4, vm0, $0xb8;
	[tilespmem:$0x1A680] =	vst v63  }
0x2b9: {  	s9 =	simm.s32 $0x7E80  }
0x2ba: {  	[tilespmem:s9], [sflag:$0x1] =	stream.indirect_vreg.gather [hbm4b:s3+s2], $0x80, v3, vm0, $0xb8;
	[tilespmem:$0x1A680] =	vst v63  }
0x2bb: {  	v3 =	vld [tilespmem:$0x3C0];
	_ =	sdelay $0x4  }
0x2bc: {  	v20 =	vshll.u32 v3, $0x1  }
0x2bd: {  	v3 =	vand.u32 $0x7, v3;
	v4 =	vand.u32 $0xFFFFFFF0, v20  }
0x2be: {  	v3 =	vor.u32 v3, v4  }
0x2bf: {  	v4 =	vperm.xlane v3, v0;
	_ =	sdelay $0x1  }
0x2c0: {  	v3 =	vperm.xlane v3, v2;
	v4 =	vadd.s32 v1, v4;
	_ =	sdelay $0x1  }
0x2c1: {  	v3 =	vadd.s32 v1, v3;
	_ =	sdelay $0x1  }
0x2c2: {  	s9 =	simm.s32 $0x8680  }
0x2c3: {  	[tilespmem:s9], [sflag:$0x1] =	stream.indirect_vreg.gather [hbm4b:s3+s2], $0x80, v4, vm0, $0xb8;
	[tilespmem:$0x1A680] =	vst v63  }
0x2c4: {  	s9 =	simm.s32 $0x8E80  }
0x2c5: {  	[tilespmem:s9], [sflag:$0x1] =	stream.indirect_vreg.gather [hbm4b:s3+s2], $0x80, v3, vm0, $0xb8;
	[tilespmem:$0x1A680] =	vst v63  }
0x2c6: {  	v3 =	vld [tilespmem:$0x3D0];
	_ =	sdelay $0x4  }
0x2c7: {  	v21 =	vshll.u32 v3, $0x1  }
0x2c8: {  	v3 =	vand.u32 $0x7, v3;
	v4 =	vand.u32 $0xFFFFFFF0, v21  }
0x2c9: {  	v3 =	vor.u32 v3, v4  }
0x2ca: {  	v4 =	vperm.xlane v3, v0;
	_ =	sdelay $0x1  }
0x2cb: {  	v3 =	vperm.xlane v3, v2;
	v4 =	vadd.s32 v1, v4;
	_ =	sdelay $0x1  }
0x2cc: {  	v3 =	vadd.s32 v1, v3;
	_ =	sdelay $0x1  }
0x2cd: {  	s9 =	simm.s32 $0x9680  }
0x2ce: {  	[tilespmem:s9], [sflag:$0x1] =	stream.indirect_vreg.gather [hbm4b:s3+s2], $0x80, v4, vm0, $0xb8;
	[tilespmem:$0x1A680] =	vst v63  }
0x2cf: {  	s9 =	simm.s32 $0x9E80  }
0x2d0: {  	[tilespmem:s9], [sflag:$0x1] =	stream.indirect_vreg.gather [hbm4b:s3+s2], $0x80, v3, vm0, $0xb8;
	[tilespmem:$0x1A680] =	vst v63  }
0x2d1: {  	v3 =	vld [tilespmem:$0x3E0];
	_ =	sdelay $0x4  }
0x2d2: {  	v22 =	vshll.u32 v3, $0x1  }
0x2d3: {  	v3 =	vand.u32 $0x7, v3;
	v4 =	vand.u32 $0xFFFFFFF0, v22  }
0x2d4: {  	v3 =	vor.u32 v3, v4  }
0x2d5: {  	v4 =	vperm.xlane v3, v0;
	_ =	sdelay $0x1  }
0x2d6: {  	v3 =	vperm.xlane v3, v2;
	v4 =	vadd.s32 v1, v4;
	_ =	sdelay $0x1  }
0x2d7: {  	v3 =	vadd.s32 v1, v3;
	_ =	sdelay $0x1  }
0x2d8: {  	s9 =	simm.s32 $0xA680  }
0x2d9: {  	[tilespmem:s9], [sflag:$0x1] =	stream.indirect_vreg.gather [hbm4b:s3+s2], $0x80, v4, vm0, $0xb8;
	[tilespmem:$0x1A680] =	vst v63  }
0x2da: {  	s9 =	simm.s32 $0xAE80  }
0x2db: {  	[tilespmem:s9], [sflag:$0x1] =	stream.indirect_vreg.gather [hbm4b:s3+s2], $0x80, v3, vm0, $0xb8;
	[tilespmem:$0x1A680] =	vst v63  }
0x2dc: {  	v3 =	vld [tilespmem:$0x3F0];
	_ =	sdelay $0x4  }
0x2dd: {  	v23 =	vshll.u32 v3, $0x1  }
0x2de: {  	v3 =	vand.u32 $0x7, v3;
	v4 =	vand.u32 $0xFFFFFFF0, v23  }
0x2df: {  	v3 =	vor.u32 v3, v4  }
0x2e0: {  	v4 =	vperm.xlane v3, v0;
	_ =	sdelay $0x1  }
0x2e1: {  	v3 =	vperm.xlane v3, v2;
	v4 =	vadd.s32 v1, v4;
	_ =	sdelay $0x1  }
0x2e2: {  	v3 =	vadd.s32 v1, v3;
	_ =	sdelay $0x1  }
0x2e3: {  	s9 =	simm.s32 $0xB680  }
0x2e4: {  	[tilespmem:s9], [sflag:$0x1] =	stream.indirect_vreg.gather [hbm4b:s3+s2], $0x80, v4, vm0, $0xb8;
	[tilespmem:$0x1A680] =	vst v63  }
0x2e5: {  	s9 =	simm.s32 $0xBE80  }
0x2e6: {  	[tilespmem:s9], [sflag:$0x1] =	stream.indirect_vreg.gather [hbm4b:s3+s2], $0x80, v3, vm0, $0xb8;
	[tilespmem:$0x1A680] =	vst v63  }
0x2e7: {  	v3 =	vld [tilespmem:$0x400];
	_ =	sdelay $0x4  }
0x2e8: {  	v24 =	vshll.u32 v3, $0x1  }
0x2e9: {  	v3 =	vand.u32 $0x7, v3;
	v4 =	vand.u32 $0xFFFFFFF0, v24  }
0x2ea: {  	v3 =	vor.u32 v3, v4  }
0x2eb: {  	v4 =	vperm.xlane v3, v0;
	_ =	sdelay $0x1  }
0x2ec: {  	v3 =	vperm.xlane v3, v2;
	v4 =	vadd.s32 v1, v4;
	_ =	sdelay $0x1  }
0x2ed: {  	v3 =	vadd.s32 v1, v3;
	_ =	sdelay $0x1  }
0x2ee: {  	s9 =	simm.s32 $0xC680  }
0x2ef: {  	[tilespmem:s9], [sflag:$0x1] =	stream.indirect_vreg.gather [hbm4b:s3+s2], $0x80, v4, vm0, $0xb8;
	[tilespmem:$0x1A680] =	vst v63  }
0x2f0: {  	s9 =	simm.s32 $0xCE80  }
0x2f1: {  	[tilespmem:s9], [sflag:$0x1] =	stream.indirect_vreg.gather [hbm4b:s3+s2], $0x80, v3, vm0, $0xb8;
	[tilespmem:$0x1A680] =	vst v63  }
0x2f2: {  	_ =	swait.ge [sflag:s7], $0xD000  }
0x2f3: {  	[sflag:s7] =	ssyncset.done $0x0  }
0x2f4: {  	s9 =	rddreg [dreg:$0x7];
	[sflag:s7] =	ssyncadd.s32 $0xFFFF3000  }
0x2f5: {  	[hbm4b:s9+s2] =	stream.linear.scatter [tilespmem:s6], [sflag:$0x4], $0xD000, $0x38;
	[tilespmem:$0x1A680] =	vst v63  }
0x2f6: {  	_ =	swait.ge [sflag:s8], $0xD000  }
0x2f7: {  	[sflag:s8] =	ssyncset.done $0x0  }
0x2f8: {  	[sflag:s8] =	ssyncadd.s32 $0xFFFF3000  }
0x2f9: {  	v3 =	vld [tilespmem:$0x410];
	_ =	sdelay $0x4  }
0x2fa: {  	v25 =	vshll.u32 v3, $0x1  }
0x2fb: {  	v3 =	vand.u32 $0x7, v3;
	v4 =	vand.u32 $0xFFFFFFF0, v25  }
0x2fc: {  	v3 =	vor.u32 v3, v4  }
0x2fd: {  	v4 =	vperm.xlane v3, v0;
	_ =	sdelay $0x1  }
0x2fe: {  	v3 =	vperm.xlane v3, v2;
	v4 =	vadd.s32 v1, v4;
	_ =	sdelay $0x1  }
0x2ff: {  	v3 =	vadd.s32 v1, v3;
	_ =	sdelay $0x2  }
0x300: {  	[tilespmem:s6], [sflag:$0x2] =	stream.indirect_vreg.gather [hbm4b:s3+s2], $0x80, v4, vm0, $0xb8;
	[tilespmem:$0x1A680] =	vst v63  }
0x301: {  	s22 =	simm.s32 $0xDE80  }
0x302: {  	[tilespmem:s22], [sflag:$0x2] =	stream.indirect_vreg.gather [hbm4b:s3+s2], $0x80, v3, vm0, $0xb8;
	[tilespmem:$0x1A680] =	vst v63  }
0x303: {  	v3 =	vld [tilespmem:$0x420];
	_ =	sdelay $0x4  }
0x304: {  	v26 =	vshll.u32 v3, $0x1  }
0x305: {  	v3 =	vand.u32 $0x7, v3;
	v4 =	vand.u32 $0xFFFFFFF0, v26  }
0x306: {  	v3 =	vor.u32 v3, v4  }
0x307: {  	v4 =	vperm.xlane v3, v0;
	_ =	sdelay $0x1  }
0x308: {  	v3 =	vperm.xlane v3, v2;
	v4 =	vadd.s32 v1, v4;
	_ =	sdelay $0x1  }
0x309: {  	v3 =	vadd.s32 v1, v3;
	_ =	sdelay $0x1  }
0x30a: {  	s10 =	simm.s32 $0xE680  }
0x30b: {  	[tilespmem:s10], [sflag:$0x2] =	stream.indirect_vreg.gather [hbm4b:s3+s2], $0x80, v4, vm0, $0xb8;
	[tilespmem:$0x1A680] =	vst v63  }
0x30c: {  	s23 =	simm.s32 $0xEE80  }
0x30d: {  	[tilespmem:s23], [sflag:$0x2] =	stream.indirect_vreg.gather [hbm4b:s3+s2], $0x80, v3, vm0, $0xb8;
	[tilespmem:$0x1A680] =	vst v63  }
0x30e: {  	v3 =	vld [tilespmem:$0x430];
	_ =	sdelay $0x4  }
0x30f: {  	v27 =	vshll.u32 v3, $0x1  }
0x310: {  	v3 =	vand.u32 $0x7, v3;
	v4 =	vand.u32 $0xFFFFFFF0, v27  }
0x311: {  	v3 =	vor.u32 v3, v4  }
0x312: {  	v4 =	vperm.xlane v3, v0;
	_ =	sdelay $0x1  }
0x313: {  	v3 =	vperm.xlane v3, v2;
	v4 =	vadd.s32 v1, v4;
	_ =	sdelay $0x1  }
0x314: {  	v3 =	vadd.s32 v1, v3;
	_ =	sdelay $0x1  }
0x315: {  	s11 =	simm.s32 $0xF680  }
0x316: {  	[tilespmem:s11], [sflag:$0x2] =	stream.indirect_vreg.gather [hbm4b:s3+s2], $0x80, v4, vm0, $0xb8;
	[tilespmem:$0x1A680] =	vst v63  }
0x317: {  	s9 =	simm.s32 $0xFE80  }
0x318: {  	[tilespmem:s9], [sflag:$0x2] =	stream.indirect_vreg.gather [hbm4b:s3+s2], $0x80, v3, vm0, $0xb8;
	[tilespmem:$0x1A680] =	vst v63  }
0x319: {  	v3 =	vld [tilespmem:$0x440];
	_ =	sdelay $0x4  }
0x31a: {  	v28 =	vshll.u32 v3, $0x1  }
0x31b: {  	v3 =	vand.u32 $0x7, v3;
	v4 =	vand.u32 $0xFFFFFFF0, v28  }
0x31c: {  	v3 =	vor.u32 v3, v4  }
0x31d: {  	v4 =	vperm.xlane v3, v0;
	_ =	sdelay $0x1  }
0x31e: {  	v3 =	vperm.xlane v3, v2;
	v4 =	vadd.s32 v1, v4;
	_ =	sdelay $0x1  }
0x31f: {  	v3 =	vadd.s32 v1, v3;
	_ =	sdelay $0x1  }
0x320: {  	s12 =	simm.s32 $0x10680  }
0x321: {  	[tilespmem:s12], [sflag:$0x2] =	stream.indirect_vreg.gather [hbm4b:s3+s2], $0x80, v4, vm0, $0xb8;
	[tilespmem:$0x1A680] =	vst v63  }
0x322: {  	s24 =	simm.s32 $0x10E80  }
0x323: {  	[tilespmem:s24], [sflag:$0x2] =	stream.indirect_vreg.gather [hbm4b:s3+s2], $0x80, v3, vm0, $0xb8;
	[tilespmem:$0x1A680] =	vst v63  }
0x324: {  	v3 =	vld [tilespmem:$0x450];
	_ =	sdelay $0x4  }
0x325: {  	v29 =	vshll.u32 v3, $0x1  }
0x326: {  	v3 =	vand.u32 $0x7, v3;
	v4 =	vand.u32 $0xFFFFFFF0, v29  }
0x327: {  	v3 =	vor.u32 v3, v4  }
0x328: {  	v4 =	vperm.xlane v3, v0;
	_ =	sdelay $0x1  }
0x329: {  	v3 =	vperm.xlane v3, v2;
	v4 =	vadd.s32 v1, v4;
	_ =	sdelay $0x1  }
0x32a: {  	v3 =	vadd.s32 v1, v3;
	_ =	sdelay $0x1  }
0x32b: {  	s13 =	simm.s32 $0x11680  }
0x32c: {  	[tilespmem:s13], [sflag:$0x2] =	stream.indirect_vreg.gather [hbm4b:s3+s2], $0x80, v4, vm0, $0xb8;
	[tilespmem:$0x1A680] =	vst v63  }
0x32d: {  	s25 =	simm.s32 $0x11E80  }
0x32e: {  	[tilespmem:s25], [sflag:$0x2] =	stream.indirect_vreg.gather [hbm4b:s3+s2], $0x80, v3, vm0, $0xb8;
	[tilespmem:$0x1A680] =	vst v63  }
0x32f: {  	v3 =	vld [tilespmem:$0x460];
	_ =	sdelay $0x4  }
0x330: {  	v30 =	vshll.u32 v3, $0x1  }
0x331: {  	v3 =	vand.u32 $0x7, v3;
	v4 =	vand.u32 $0xFFFFFFF0, v30  }
0x332: {  	v3 =	vor.u32 v3, v4  }
0x333: {  	v4 =	vperm.xlane v3, v0;
	_ =	sdelay $0x1  }
0x334: {  	v3 =	vperm.xlane v3, v2;
	v4 =	vadd.s32 v1, v4;
	_ =	sdelay $0x1  }
0x335: {  	v3 =	vadd.s32 v1, v3;
	_ =	sdelay $0x1  }
0x336: {  	s14 =	simm.s32 $0x12680  }
0x337: {  	[tilespmem:s14], [sflag:$0x2] =	stream.indirect_vreg.gather [hbm4b:s3+s2], $0x80, v4, vm0, $0xb8;
	[tilespmem:$0x1A680] =	vst v63  }
0x338: {  	s26 =	simm.s32 $0x12E80  }
0x339: {  	[tilespmem:s26], [sflag:$0x2] =	stream.indirect_vreg.gather [hbm4b:s3+s2], $0x80, v3, vm0, $0xb8;
	[tilespmem:$0x1A680] =	vst v63  }
0x33a: {  	v3 =	vld [tilespmem:$0x470];
	_ =	sdelay $0x4  }
0x33b: {  	v31 =	vshll.u32 v3, $0x1  }
0x33c: {  	v3 =	vand.u32 $0x7, v3;
	v4 =	vand.u32 $0xFFFFFFF0, v31  }
0x33d: {  	v3 =	vor.u32 v3, v4  }
0x33e: {  	v4 =	vperm.xlane v3, v0;
	_ =	sdelay $0x1  }
0x33f: {  	v3 =	vperm.xlane v3, v2;
	v4 =	vadd.s32 v1, v4;
	_ =	sdelay $0x1  }
0x340: {  	v3 =	vadd.s32 v1, v3;
	_ =	sdelay $0x1  }
0x341: {  	s15 =	simm.s32 $0x13680  }
0x342: {  	[tilespmem:s15], [sflag:$0x2] =	stream.indirect_vreg.gather [hbm4b:s3+s2], $0x80, v4, vm0, $0xb8;
	[tilespmem:$0x1A680] =	vst v63  }
0x343: {  	s28 =	simm.s32 $0x13E80  }
0x344: {  	[tilespmem:s28], [sflag:$0x2] =	stream.indirect_vreg.gather [hbm4b:s3+s2], $0x80, v3, vm0, $0xb8;
	[tilespmem:$0x1A680] =	vst v63  }
0x345: {  	v3 =	vld [tilespmem:$0x480];
	_ =	sdelay $0x4  }
0x346: {  	v32 =	vshll.u32 v3, $0x1  }
0x347: {  	v3 =	vand.u32 $0x7, v3;
	v4 =	vand.u32 $0xFFFFFFF0, v32  }
0x348: {  	v3 =	vor.u32 v3, v4  }
0x349: {  	v4 =	vperm.xlane v3, v0;
	_ =	sdelay $0x1  }
0x34a: {  	v3 =	vperm.xlane v3, v2;
	v4 =	vadd.s32 v1, v4;
	_ =	sdelay $0x1  }
0x34b: {  	v3 =	vadd.s32 v1, v3;
	_ =	sdelay $0x1  }
0x34c: {  	s16 =	simm.s32 $0x14680  }
0x34d: {  	[tilespmem:s16], [sflag:$0x2] =	stream.indirect_vreg.gather [hbm4b:s3+s2], $0x80, v4, vm0, $0xb8;
	[tilespmem:$0x1A680] =	vst v63  }
0x34e: {  	s29 =	simm.s32 $0x14E80  }
0x34f: {  	[tilespmem:s29], [sflag:$0x2] =	stream.indirect_vreg.gather [hbm4b:s3+s2], $0x80, v3, vm0, $0xb8;
	[tilespmem:$0x1A680] =	vst v63  }
0x350: {  	v3 =	vld [tilespmem:$0x490];
	_ =	sdelay $0x4  }
0x351: {  	v33 =	vshll.u32 v3, $0x1  }
0x352: {  	v3 =	vand.u32 $0x7, v3;
	v4 =	vand.u32 $0xFFFFFFF0, v33  }
0x353: {  	v3 =	vor.u32 v3, v4  }
0x354: {  	v4 =	vperm.xlane v3, v0;
	_ =	sdelay $0x1  }
0x355: {  	v3 =	vperm.xlane v3, v2;
	v4 =	vadd.s32 v1, v4;
	_ =	sdelay $0x1  }
0x356: {  	v3 =	vadd.s32 v1, v3;
	_ =	sdelay $0x1  }
0x357: {  	s17 =	simm.s32 $0x15680  }
0x358: {  	[tilespmem:s17], [sflag:$0x2] =	stream.indirect_vreg.gather [hbm4b:s3+s2], $0x80, v4, vm0, $0xb8;
	[tilespmem:$0x1A680] =	vst v63  }
0x359: {  	s30 =	simm.s32 $0x15E80  }
0x35a: {  	[tilespmem:s30], [sflag:$0x2] =	stream.indirect_vreg.gather [hbm4b:s3+s2], $0x80, v3, vm0, $0xb8;
	[tilespmem:$0x1A680] =	vst v63  }
0x35b: {  	v3 =	vld [tilespmem:$0x4A0];
	_ =	sdelay $0x4  }
0x35c: {  	v34 =	vshll.u32 v3, $0x1  }
0x35d: {  	v3 =	vand.u32 $0x7, v3;
	v4 =	vand.u32 $0xFFFFFFF0, v34  }
0x35e: {  	v3 =	vor.u32 v3, v4  }
0x35f: {  	v4 =	vperm.xlane v3, v0;
	_ =	sdelay $0x1  }
0x360: {  	v3 =	vperm.xlane v3, v2;
	v4 =	vadd.s32 v1, v4;
	_ =	sdelay $0x1  }
0x361: {  	v3 =	vadd.s32 v1, v3;
	_ =	sdelay $0x1  }
0x362: {  	s18 =	simm.s32 $0x16680  }
0x363: {  	[tilespmem:s18], [sflag:$0x2] =	stream.indirect_vreg.gather [hbm4b:s3+s2], $0x80, v4, vm0, $0xb8;
	[tilespmem:$0x1A680] =	vst v63  }
0x364: {  	s31 =	simm.s32 $0x16E80  }
0x365: {  	[tilespmem:s31], [sflag:$0x2] =	stream.indirect_vreg.gather [hbm4b:s3+s2], $0x80, v3, vm0, $0xb8;
	[tilespmem:$0x1A680] =	vst v63  }
0x366: {  	v3 =	vld [tilespmem:$0x4B0];
	_ =	sdelay $0x4  }
0x367: {  	v35 =	vshll.u32 v3, $0x1  }
0x368: {  	v3 =	vand.u32 $0x7, v3;
	v4 =	vand.u32 $0xFFFFFFF0, v35  }
0x369: {  	v3 =	vor.u32 v3, v4  }
0x36a: {  	v4 =	vperm.xlane v3, v0;
	_ =	sdelay $0x1  }
0x36b: {  	v3 =	vperm.xlane v3, v2;
	v4 =	vadd.s32 v1, v4;
	_ =	sdelay $0x1  }
0x36c: {  	v3 =	vadd.s32 v1, v3;
	_ =	sdelay $0x1  }
0x36d: {  	s19 =	simm.s32 $0x17680  }
0x36e: {  	[tilespmem:s19], [sflag:$0x2] =	stream.indirect_vreg.gather [hbm4b:s3+s2], $0x80, v4, vm0, $0xb8;
	[tilespmem:$0x1A680] =	vst v63  }
0x36f: {  	s9 =	simm.s32 $0x17E80  }
0x370: {  	[tilespmem:s9], [sflag:$0x2] =	stream.indirect_vreg.gather [hbm4b:s3+s2], $0x80, v3, vm0, $0xb8;
	[tilespmem:$0x1A680] =	vst v63  }
0x371: {  	v3 =	vld [tilespmem:$0x4C0];
	_ =	sdelay $0x4  }
0x372: {  	v36 =	vshll.u32 v3, $0x1  }
0x373: {  	v3 =	vand.u32 $0x7, v3;
	v4 =	vand.u32 $0xFFFFFFF0, v36  }
0x374: {  	v3 =	vor.u32 v3, v4  }
0x375: {  	v4 =	vperm.xlane v3, v0;
	_ =	sdelay $0x1  }
0x376: {  	v3 =	vperm.xlane v3, v2;
	v4 =	vadd.s32 v1, v4;
	_ =	sdelay $0x1  }
0x377: {  	v3 =	vadd.s32 v1, v3;
	_ =	sdelay $0x1  }
0x378: {  	s20 =	simm.s32 $0x18680  }
0x379: {  	[tilespmem:s20], [sflag:$0x2] =	stream.indirect_vreg.gather [hbm4b:s3+s2], $0x80, v4, vm0, $0xb8;
	[tilespmem:$0x1A680] =	vst v63  }
0x37a: {  	s9 =	simm.s32 $0x18E80  }
0x37b: {  	[tilespmem:s9], [sflag:$0x2] =	stream.indirect_vreg.gather [hbm4b:s3+s2], $0x80, v3, vm0, $0xb8;
	[tilespmem:$0x1A680] =	vst v63  }
0x37c: {  	v3 =	vld [tilespmem:$0x4D0];
	_ =	sdelay $0x4  }
0x37d: {  	v37 =	vshll.u32 v3, $0x1  }
0x37e: {  	v3 =	vand.u32 $0x7, v3;
	v4 =	vand.u32 $0xFFFFFFF0, v37  }
0x37f: {  	v3 =	vor.u32 v3, v4  }
0x380: {  	v4 =	vperm.xlane v3, v0;
	_ =	sdelay $0x1  }
0x381: {  	v3 =	vperm.xlane v3, v2;
	v4 =	vadd.s32 v1, v4;
	_ =	sdelay $0x1  }
0x382: {  	v3 =	vadd.s32 v1, v3;
	_ =	sdelay $0x1  }
0x383: {  	s21 =	simm.s32 $0x19680  }
0x384: {  	[tilespmem:s21], [sflag:$0x2] =	stream.indirect_vreg.gather [hbm4b:s3+s2], $0x80, v4, vm0, $0xb8;
	[tilespmem:$0x1A680] =	vst v63  }
0x385: {  	s9 =	simm.s32 $0x19E80  }
0x386: {  	[tilespmem:s9], [sflag:$0x2] =	stream.indirect_vreg.gather [hbm4b:s3+s2], $0x80, v3, vm0, $0xb8;
	[tilespmem:$0x1A680] =	vst v63  }
0x387: {  	_ =	swait.ge [sflag:s1], $0xD000  }
0x388: {  	[sflag:s1] =	ssyncset.done $0x0  }
0x389: {  	s9 =	rddreg [dreg:$0x8];
	[sflag:s1] =	ssyncadd.s32 $0xFFFF3000  }
0x38a: {  	[hbm4b:s9+s2] =	stream.linear.scatter [tilespmem:s0], [sflag:$0x3], $0xD000, $0x38;
	[tilespmem:$0x1A680] =	vst v63  }
0x38b: {  	_ =	swait.ge [sflag:s5], $0xD000  }
0x38c: {  	[sflag:s5] =	ssyncset.done $0x0  }
0x38d: {  	[sflag:s5] =	ssyncadd.s32 $0xFFFF3000  }
0x38e: {  	v3 =	vld [tilespmem:$0x4E0];
	_ =	sdelay $0x4  }
0x38f: {  	v38 =	vshll.u32 v3, $0x1  }
0x390: {  	v3 =	vand.u32 $0x7, v3;
	v4 =	vand.u32 $0xFFFFFFF0, v38  }
0x391: {  	v3 =	vor.u32 v3, v4  }
0x392: {  	v4 =	vperm.xlane v3, v0;
	_ =	sdelay $0x1  }
0x393: {  	v3 =	vperm.xlane v3, v2;
	v4 =	vadd.s32 v1, v4;
	_ =	sdelay $0x1  }
0x394: {  	v3 =	vadd.s32 v1, v3;
	_ =	sdelay $0x2  }
0x395: {  	[tilespmem:s0], [sflag:$0x1] =	stream.indirect_vreg.gather [hbm4b:s3+s2], $0x80, v4, vm0, $0xb8;
	[tilespmem:$0x1A680] =	vst v63  }
0x396: {  	s9 =	simm.s32 $0xE80  }
0x397: {  	[tilespmem:s9], [sflag:$0x1] =	stream.indirect_vreg.gather [hbm4b:s3+s2], $0x80, v3, vm0, $0xb8;
	[tilespmem:$0x1A680] =	vst v63  }
0x398: {  	v3 =	vld [tilespmem:$0x4F0];
	_ =	sdelay $0x4  }
0x399: {  	v39 =	vshll.u32 v3, $0x1  }
0x39a: {  	v3 =	vand.u32 $0x7, v3;
	v4 =	vand.u32 $0xFFFFFFF0, v39  }
0x39b: {  	v3 =	vor.u32 v3, v4  }
0x39c: {  	v4 =	vperm.xlane v3, v0;
	_ =	sdelay $0x1  }
0x39d: {  	v3 =	vperm.xlane v3, v2;
	v4 =	vadd.s32 v1, v4;
	_ =	sdelay $0x1  }
0x39e: {  	v3 =	vadd.s32 v1, v3;
	_ =	sdelay $0x1  }
0x39f: {  	s9 =	simm.s32 $0x1680  }
0x3a0: {  	[tilespmem:s9], [sflag:$0x1] =	stream.indirect_vreg.gather [hbm4b:s3+s2], $0x80, v4, vm0, $0xb8;
	[tilespmem:$0x1A680] =	vst v63  }
0x3a1: {  	s9 =	simm.s32 $0x1E80  }
0x3a2: {  	[tilespmem:s9], [sflag:$0x1] =	stream.indirect_vreg.gather [hbm4b:s3+s2], $0x80, v3, vm0, $0xb8;
	[tilespmem:$0x1A680] =	vst v63  }
0x3a3: {  	v3 =	vld [tilespmem:$0x500];
	_ =	sdelay $0x4  }
0x3a4: {  	v40 =	vshll.u32 v3, $0x1  }
0x3a5: {  	v3 =	vand.u32 $0x7, v3;
	v4 =	vand.u32 $0xFFFFFFF0, v40  }
0x3a6: {  	v3 =	vor.u32 v3, v4  }
0x3a7: {  	v4 =	vperm.xlane v3, v0;
	_ =	sdelay $0x1  }
0x3a8: {  	v3 =	vperm.xlane v3, v2;
	v4 =	vadd.s32 v1, v4;
	_ =	sdelay $0x1  }
0x3a9: {  	v3 =	vadd.s32 v1, v3;
	_ =	sdelay $0x1  }
0x3aa: {  	s9 =	simm.s32 $0x2680  }
0x3ab: {  	[tilespmem:s9], [sflag:$0x1] =	stream.indirect_vreg.gather [hbm4b:s3+s2], $0x80, v4, vm0, $0xb8;
	[tilespmem:$0x1A680] =	vst v63  }
0x3ac: {  	s9 =	simm.s32 $0x2E80  }
0x3ad: {  	[tilespmem:s9], [sflag:$0x1] =	stream.indirect_vreg.gather [hbm4b:s3+s2], $0x80, v3, vm0, $0xb8;
	[tilespmem:$0x1A680] =	vst v63  }
0x3ae: {  	v3 =	vld [tilespmem:$0x510];
	_ =	sdelay $0x4  }
0x3af: {  	v41 =	vshll.u32 v3, $0x1  }
0x3b0: {  	v3 =	vand.u32 $0x7, v3;
	v4 =	vand.u32 $0xFFFFFFF0, v41  }
0x3b1: {  	v3 =	vor.u32 v3, v4  }
0x3b2: {  	v4 =	vperm.xlane v3, v0;
	_ =	sdelay $0x1  }
0x3b3: {  	v3 =	vperm.xlane v3, v2;
	v4 =	vadd.s32 v1, v4;
	_ =	sdelay $0x1  }
0x3b4: {  	v3 =	vadd.s32 v1, v3;
	_ =	sdelay $0x1  }
0x3b5: {  	s9 =	simm.s32 $0x3680  }
0x3b6: {  	[tilespmem:s9], [sflag:$0x1] =	stream.indirect_vreg.gather [hbm4b:s3+s2], $0x80, v4, vm0, $0xb8;
	[tilespmem:$0x1A680] =	vst v63  }
0x3b7: {  	s9 =	simm.s32 $0x3E80  }
0x3b8: {  	[tilespmem:s9], [sflag:$0x1] =	stream.indirect_vreg.gather [hbm4b:s3+s2], $0x80, v3, vm0, $0xb8;
	[tilespmem:$0x1A680] =	vst v63  }
0x3b9: {  	v3 =	vld [tilespmem:$0x520];
	_ =	sdelay $0x4  }
0x3ba: {  	v42 =	vshll.u32 v3, $0x1  }
0x3bb: {  	v3 =	vand.u32 $0x7, v3;
	v4 =	vand.u32 $0xFFFFFFF0, v42  }
0x3bc: {  	v3 =	vor.u32 v3, v4  }
0x3bd: {  	v4 =	vperm.xlane v3, v0;
	_ =	sdelay $0x1  }
0x3be: {  	v3 =	vperm.xlane v3, v2;
	v4 =	vadd.s32 v1, v4;
	_ =	sdelay $0x1  }
0x3bf: {  	v3 =	vadd.s32 v1, v3;
	_ =	sdelay $0x1  }
0x3c0: {  	s9 =	simm.s32 $0x4680  }
0x3c1: {  	[tilespmem:s9], [sflag:$0x1] =	stream.indirect_vreg.gather [hbm4b:s3+s2], $0x80, v4, vm0, $0xb8;
	[tilespmem:$0x1A680] =	vst v63  }
0x3c2: {  	s9 =	simm.s32 $0x4E80  }
0x3c3: {  	[tilespmem:s9], [sflag:$0x1] =	stream.indirect_vreg.gather [hbm4b:s3+s2], $0x80, v3, vm0, $0xb8;
	[tilespmem:$0x1A680] =	vst v63  }
0x3c4: {  	v3 =	vld [tilespmem:$0x530];
	_ =	sdelay $0x4  }
0x3c5: {  	v43 =	vshll.u32 v3, $0x1  }
0x3c6: {  	v3 =	vand.u32 $0x7, v3;
	v4 =	vand.u32 $0xFFFFFFF0, v43  }
0x3c7: {  	v3 =	vor.u32 v3, v4  }
0x3c8: {  	v4 =	vperm.xlane v3, v0;
	_ =	sdelay $0x1  }
0x3c9: {  	v3 =	vperm.xlane v3, v2;
	v4 =	vadd.s32 v1, v4;
	_ =	sdelay $0x1  }
0x3ca: {  	v3 =	vadd.s32 v1, v3;
	_ =	sdelay $0x1  }
0x3cb: {  	s9 =	simm.s32 $0x5680  }
0x3cc: {  	[tilespmem:s9], [sflag:$0x1] =	stream.indirect_vreg.gather [hbm4b:s3+s2], $0x80, v4, vm0, $0xb8;
	[tilespmem:$0x1A680] =	vst v63  }
0x3cd: {  	s9 =	simm.s32 $0x5E80  }
0x3ce: {  	[tilespmem:s9], [sflag:$0x1] =	stream.indirect_vreg.gather [hbm4b:s3+s2], $0x80, v3, vm0, $0xb8;
	[tilespmem:$0x1A680] =	vst v63  }
0x3cf: {  	v3 =	vld [tilespmem:$0x540];
	_ =	sdelay $0x4  }
0x3d0: {  	v44 =	vshll.u32 v3, $0x1  }
0x3d1: {  	v3 =	vand.u32 $0x7, v3;
	v4 =	vand.u32 $0xFFFFFFF0, v44  }
0x3d2: {  	v3 =	vor.u32 v3, v4  }
0x3d3: {  	v4 =	vperm.xlane v3, v0;
	_ =	sdelay $0x1  }
0x3d4: {  	v3 =	vperm.xlane v3, v2;
	v4 =	vadd.s32 v1, v4;
	_ =	sdelay $0x1  }
0x3d5: {  	v3 =	vadd.s32 v1, v3;
	_ =	sdelay $0x1  }
0x3d6: {  	s9 =	simm.s32 $0x6680  }
0x3d7: {  	[tilespmem:s9], [sflag:$0x1] =	stream.indirect_vreg.gather [hbm4b:s3+s2], $0x80, v4, vm0, $0xb8;
	[tilespmem:$0x1A680] =	vst v63  }
0x3d8: {  	s9 =	simm.s32 $0x6E80  }
0x3d9: {  	[tilespmem:s9], [sflag:$0x1] =	stream.indirect_vreg.gather [hbm4b:s3+s2], $0x80, v3, vm0, $0xb8;
	[tilespmem:$0x1A680] =	vst v63  }
0x3da: {  	v3 =	vld [tilespmem:$0x550];
	_ =	sdelay $0x4  }
0x3db: {  	v45 =	vshll.u32 v3, $0x1  }
0x3dc: {  	v3 =	vand.u32 $0x7, v3;
	v4 =	vand.u32 $0xFFFFFFF0, v45  }
0x3dd: {  	v3 =	vor.u32 v3, v4  }
0x3de: {  	v4 =	vperm.xlane v3, v0;
	_ =	sdelay $0x1  }
0x3df: {  	v3 =	vperm.xlane v3, v2;
	v4 =	vadd.s32 v1, v4;
	_ =	sdelay $0x1  }
0x3e0: {  	v3 =	vadd.s32 v1, v3;
	_ =	sdelay $0x1  }
0x3e1: {  	s9 =	simm.s32 $0x7680  }
0x3e2: {  	[tilespmem:s9], [sflag:$0x1] =	stream.indirect_vreg.gather [hbm4b:s3+s2], $0x80, v4, vm0, $0xb8;
	[tilespmem:$0x1A680] =	vst v63  }
0x3e3: {  	s9 =	simm.s32 $0x7E80  }
0x3e4: {  	[tilespmem:s9], [sflag:$0x1] =	stream.indirect_vreg.gather [hbm4b:s3+s2], $0x80, v3, vm0, $0xb8;
	[tilespmem:$0x1A680] =	vst v63  }
0x3e5: {  	v3 =	vld [tilespmem:$0x560];
	_ =	sdelay $0x4  }
0x3e6: {  	v46 =	vshll.u32 v3, $0x1  }
0x3e7: {  	v3 =	vand.u32 $0x7, v3;
	v4 =	vand.u32 $0xFFFFFFF0, v46  }
0x3e8: {  	v3 =	vor.u32 v3, v4  }
0x3e9: {  	v4 =	vperm.xlane v3, v0;
	_ =	sdelay $0x1  }
0x3ea: {  	v3 =	vperm.xlane v3, v2;
	v4 =	vadd.s32 v1, v4;
	_ =	sdelay $0x1  }
0x3eb: {  	v3 =	vadd.s32 v1, v3;
	_ =	sdelay $0x1  }
0x3ec: {  	s9 =	simm.s32 $0x8680  }
0x3ed: {  	[tilespmem:s9], [sflag:$0x1] =	stream.indirect_vreg.gather [hbm4b:s3+s2], $0x80, v4, vm0, $0xb8;
	[tilespmem:$0x1A680] =	vst v63  }
0x3ee: {  	s9 =	simm.s32 $0x8E80  }
0x3ef: {  	[tilespmem:s9], [sflag:$0x1] =	stream.indirect_vreg.gather [hbm4b:s3+s2], $0x80, v3, vm0, $0xb8;
	[tilespmem:$0x1A680] =	vst v63  }
0x3f0: {  	v3 =	vld [tilespmem:$0x570];
	_ =	sdelay $0x4  }
0x3f1: {  	v47 =	vshll.u32 v3, $0x1  }
0x3f2: {  	v3 =	vand.u32 $0x7, v3;
	v4 =	vand.u32 $0xFFFFFFF0, v47  }
0x3f3: {  	v3 =	vor.u32 v3, v4  }
0x3f4: {  	v4 =	vperm.xlane v3, v0;
	_ =	sdelay $0x1  }
0x3f5: {  	v3 =	vperm.xlane v3, v2;
	v4 =	vadd.s32 v1, v4;
	_ =	sdelay $0x1  }
0x3f6: {  	v3 =	vadd.s32 v1, v3;
	_ =	sdelay $0x1  }
0x3f7: {  	s9 =	simm.s32 $0x9680  }
0x3f8: {  	[tilespmem:s9], [sflag:$0x1] =	stream.indirect_vreg.gather [hbm4b:s3+s2], $0x80, v4, vm0, $0xb8;
	[tilespmem:$0x1A680] =	vst v63  }
0x3f9: {  	s9 =	simm.s32 $0x9E80  }
0x3fa: {  	[tilespmem:s9], [sflag:$0x1] =	stream.indirect_vreg.gather [hbm4b:s3+s2], $0x80, v3, vm0, $0xb8;
	[tilespmem:$0x1A680] =	vst v63  }
0x3fb: {  	v3 =	vld [tilespmem:$0x580];
	_ =	sdelay $0x4  }
0x3fc: {  	v48 =	vshll.u32 v3, $0x1  }
0x3fd: {  	v3 =	vand.u32 $0x7, v3;
	v4 =	vand.u32 $0xFFFFFFF0, v48  }
0x3fe: {  	v3 =	vor.u32 v3, v4  }
0x3ff: {  	v4 =	vperm.xlane v3, v0;
	_ =	sdelay $0x1  }
0x400: {  	v3 =	vperm.xlane v3, v2;
	v4 =	vadd.s32 v1, v4;
	_ =	sdelay $0x1  }
0x401: {  	v3 =	vadd.s32 v1, v3;
	_ =	sdelay $0x1  }
0x402: {  	s9 =	simm.s32 $0xA680  }
0x403: {  	[tilespmem:s9], [sflag:$0x1] =	stream.indirect_vreg.gather [hbm4b:s3+s2], $0x80, v4, vm0, $0xb8;
	[tilespmem:$0x1A680] =	vst v63  }
0x404: {  	s9 =	simm.s32 $0xAE80  }
0x405: {  	[tilespmem:s9], [sflag:$0x1] =	stream.indirect_vreg.gather [hbm4b:s3+s2], $0x80, v3, vm0, $0xb8;
	[tilespmem:$0x1A680] =	vst v63  }
0x406: {  	v3 =	vld [tilespmem:$0x590];
	_ =	sdelay $0x4  }
0x407: {  	v49 =	vshll.u32 v3, $0x1  }
0x408: {  	v3 =	vand.u32 $0x7, v3;
	v4 =	vand.u32 $0xFFFFFFF0, v49  }
0x409: {  	v3 =	vor.u32 v3, v4  }
0x40a: {  	v4 =	vperm.xlane v3, v0;
	_ =	sdelay $0x1  }
0x40b: {  	v3 =	vperm.xlane v3, v2;
	v4 =	vadd.s32 v1, v4;
	_ =	sdelay $0x1  }
0x40c: {  	v3 =	vadd.s32 v1, v3;
	_ =	sdelay $0x1  }
0x40d: {  	s9 =	simm.s32 $0xB680  }
0x40e: {  	[tilespmem:s9], [sflag:$0x1] =	stream.indirect_vreg.gather [hbm4b:s3+s2], $0x80, v4, vm0, $0xb8;
	[tilespmem:$0x1A680] =	vst v63  }
0x40f: {  	s9 =	simm.s32 $0xBE80  }
0x410: {  	[tilespmem:s9], [sflag:$0x1] =	stream.indirect_vreg.gather [hbm4b:s3+s2], $0x80, v3, vm0, $0xb8;
	[tilespmem:$0x1A680] =	vst v63  }
0x411: {  	v3 =	vld [tilespmem:$0x5A0];
	_ =	sdelay $0x4  }
0x412: {  	v50 =	vshll.u32 v3, $0x1  }
0x413: {  	v3 =	vand.u32 $0x7, v3;
	v4 =	vand.u32 $0xFFFFFFF0, v50  }
0x414: {  	v3 =	vor.u32 v3, v4  }
0x415: {  	v4 =	vperm.xlane v3, v0;
	_ =	sdelay $0x1  }
0x416: {  	v3 =	vperm.xlane v3, v2;
	v4 =	vadd.s32 v1, v4;
	_ =	sdelay $0x1  }
0x417: {  	v3 =	vadd.s32 v1, v3;
	_ =	sdelay $0x1  }
0x418: {  	s9 =	simm.s32 $0xC680  }
0x419: {  	[tilespmem:s9], [sflag:$0x1] =	stream.indirect_vreg.gather [hbm4b:s3+s2], $0x80, v4, vm0, $0xb8;
	[tilespmem:$0x1A680] =	vst v63  }
0x41a: {  	s9 =	simm.s32 $0xCE80  }
0x41b: {  	[tilespmem:s9], [sflag:$0x1] =	stream.indirect_vreg.gather [hbm4b:s3+s2], $0x80, v3, vm0, $0xb8;
	[tilespmem:$0x1A680] =	vst v63  }
0x41c: {  	_ =	swait.ge [sflag:s7], $0xD000  }
0x41d: {  	[sflag:s7] =	ssyncset.done $0x0  }
0x41e: {  	s9 =	rddreg [dreg:$0x9];
	[sflag:s7] =	ssyncadd.s32 $0xFFFF3000  }
0x41f: {  	[hbm4b:s9+s2] =	stream.linear.scatter [tilespmem:s6], [sflag:$0x4], $0xD000, $0x38;
	[tilespmem:$0x1A680] =	vst v63  }
0x420: {  	_ =	swait.ge [sflag:s8], $0xD000  }
0x421: {  	[sflag:s8] =	ssyncset.done $0x0  }
0x422: {  	[sflag:s8] =	ssyncadd.s32 $0xFFFF3000  }
0x423: {  	v3 =	vld [tilespmem:$0x5B0];
	_ =	sdelay $0x4  }
0x424: {  	v51 =	vshll.u32 v3, $0x1  }
0x425: {  	v3 =	vand.u32 $0x7, v3;
	v4 =	vand.u32 $0xFFFFFFF0, v51  }
0x426: {  	v3 =	vor.u32 v3, v4  }
0x427: {  	v4 =	vperm.xlane v3, v0;
	_ =	sdelay $0x1  }
0x428: {  	v3 =	vperm.xlane v3, v2;
	v4 =	vadd.s32 v1, v4;
	_ =	sdelay $0x1  }
0x429: {  	v3 =	vadd.s32 v1, v3;
	_ =	sdelay $0x2  }
0x42a: {  	[tilespmem:s6], [sflag:$0x2] =	stream.indirect_vreg.gather [hbm4b:s3+s2], $0x80, v4, vm0, $0xb8;
	[tilespmem:$0x1A680] =	vst v63  }
0x42b: {  	s22 =	simm.s32 $0xDE80  }
0x42c: {  	[tilespmem:s22], [sflag:$0x2] =	stream.indirect_vreg.gather [hbm4b:s3+s2], $0x80, v3, vm0, $0xb8;
	[tilespmem:$0x1A680] =	vst v63  }
0x42d: {  	v3 =	vld [tilespmem:$0x5C0];
	_ =	sdelay $0x4  }
0x42e: {  	v52 =	vshll.u32 v3, $0x1  }
0x42f: {  	v3 =	vand.u32 $0x7, v3;
	v4 =	vand.u32 $0xFFFFFFF0, v52  }
0x430: {  	v3 =	vor.u32 v3, v4  }
0x431: {  	v4 =	vperm.xlane v3, v0;
	_ =	sdelay $0x1  }
0x432: {  	v3 =	vperm.xlane v3, v2;
	v4 =	vadd.s32 v1, v4;
	_ =	sdelay $0x1  }
0x433: {  	v3 =	vadd.s32 v1, v3;
	_ =	sdelay $0x1  }
0x434: {  	s10 =	simm.s32 $0xE680  }
0x435: {  	[tilespmem:s10], [sflag:$0x2] =	stream.indirect_vreg.gather [hbm4b:s3+s2], $0x80, v4, vm0, $0xb8;
	[tilespmem:$0x1A680] =	vst v63  }
0x436: {  	s23 =	simm.s32 $0xEE80  }
0x437: {  	[tilespmem:s23], [sflag:$0x2] =	stream.indirect_vreg.gather [hbm4b:s3+s2], $0x80, v3, vm0, $0xb8;
	[tilespmem:$0x1A680] =	vst v63  }
0x438: {  	v3 =	vld [tilespmem:$0x5D0];
	_ =	sdelay $0x4  }
0x439: {  	v53 =	vshll.u32 v3, $0x1  }
0x43a: {  	v3 =	vand.u32 $0x7, v3;
	v4 =	vand.u32 $0xFFFFFFF0, v53  }
0x43b: {  	v3 =	vor.u32 v3, v4  }
0x43c: {  	v4 =	vperm.xlane v3, v0;
	_ =	sdelay $0x1  }
0x43d: {  	v3 =	vperm.xlane v3, v2;
	v4 =	vadd.s32 v1, v4;
	_ =	sdelay $0x1  }
0x43e: {  	v3 =	vadd.s32 v1, v3;
	_ =	sdelay $0x1  }
0x43f: {  	s11 =	simm.s32 $0xF680  }
0x440: {  	[tilespmem:s11], [sflag:$0x2] =	stream.indirect_vreg.gather [hbm4b:s3+s2], $0x80, v4, vm0, $0xb8;
	[tilespmem:$0x1A680] =	vst v63  }
0x441: {  	s23 =	simm.s32 $0xFE80  }
0x442: {  	[tilespmem:s23], [sflag:$0x2] =	stream.indirect_vreg.gather [hbm4b:s3+s2], $0x80, v3, vm0, $0xb8;
	[tilespmem:$0x1A680] =	vst v63  }
0x443: {  	v3 =	vld [tilespmem:$0x5E0];
	_ =	sdelay $0x4  }
0x444: {  	v54 =	vshll.u32 v3, $0x1  }
0x445: {  	v3 =	vand.u32 $0x7, v3;
	v4 =	vand.u32 $0xFFFFFFF0, v54  }
0x446: {  	v3 =	vor.u32 v3, v4  }
0x447: {  	v4 =	vperm.xlane v3, v0;
	_ =	sdelay $0x1  }
0x448: {  	v3 =	vperm.xlane v3, v2;
	v4 =	vadd.s32 v1, v4;
	_ =	sdelay $0x1  }
0x449: {  	v3 =	vadd.s32 v1, v3;
	_ =	sdelay $0x1  }
0x44a: {  	s12 =	simm.s32 $0x10680  }
0x44b: {  	[tilespmem:s12], [sflag:$0x2] =	stream.indirect_vreg.gather [hbm4b:s3+s2], $0x80, v4, vm0, $0xb8;
	[tilespmem:$0x1A680] =	vst v63  }
0x44c: {  	s24 =	simm.s32 $0x10E80  }
0x44d: {  	[tilespmem:s24], [sflag:$0x2] =	stream.indirect_vreg.gather [hbm4b:s3+s2], $0x80, v3, vm0, $0xb8;
	[tilespmem:$0x1A680] =	vst v63  }
0x44e: {  	v3 =	vld [tilespmem:$0x5F0];
	_ =	sdelay $0x4  }
0x44f: {  	v55 =	vshll.u32 v3, $0x1  }
0x450: {  	v3 =	vand.u32 $0x7, v3;
	v4 =	vand.u32 $0xFFFFFFF0, v55  }
0x451: {  	v3 =	vor.u32 v3, v4  }
0x452: {  	v4 =	vperm.xlane v3, v0;
	_ =	sdelay $0x1  }
0x453: {  	v3 =	vperm.xlane v3, v2;
	v4 =	vadd.s32 v1, v4;
	_ =	sdelay $0x1  }
0x454: {  	v3 =	vadd.s32 v1, v3;
	_ =	sdelay $0x1  }
0x455: {  	s13 =	simm.s32 $0x11680  }
0x456: {  	[tilespmem:s13], [sflag:$0x2] =	stream.indirect_vreg.gather [hbm4b:s3+s2], $0x80, v4, vm0, $0xb8;
	[tilespmem:$0x1A680] =	vst v63  }
0x457: {  	s25 =	simm.s32 $0x11E80  }
0x458: {  	[tilespmem:s25], [sflag:$0x2] =	stream.indirect_vreg.gather [hbm4b:s3+s2], $0x80, v3, vm0, $0xb8;
	[tilespmem:$0x1A680] =	vst v63  }
0x459: {  	v3 =	vld [tilespmem:$0x600];
	_ =	sdelay $0x4  }
0x45a: {  	v56 =	vshll.u32 v3, $0x1  }
0x45b: {  	v3 =	vand.u32 $0x7, v3;
	v4 =	vand.u32 $0xFFFFFFF0, v56  }
0x45c: {  	v3 =	vor.u32 v3, v4  }
0x45d: {  	v4 =	vperm.xlane v3, v0;
	_ =	sdelay $0x1  }
0x45e: {  	v3 =	vperm.xlane v3, v2;
	v4 =	vadd.s32 v1, v4;
	_ =	sdelay $0x1  }
0x45f: {  	v3 =	vadd.s32 v1, v3;
	_ =	sdelay $0x1  }
0x460: {  	s14 =	simm.s32 $0x12680  }
0x461: {  	[tilespmem:s14], [sflag:$0x2] =	stream.indirect_vreg.gather [hbm4b:s3+s2], $0x80, v4, vm0, $0xb8;
	[tilespmem:$0x1A680] =	vst v63  }
0x462: {  	s26 =	simm.s32 $0x12E80  }
0x463: {  	[tilespmem:s26], [sflag:$0x2] =	stream.indirect_vreg.gather [hbm4b:s3+s2], $0x80, v3, vm0, $0xb8;
	[tilespmem:$0x1A680] =	vst v63  }
0x464: {  	v3 =	vld [tilespmem:$0x610];
	_ =	sdelay $0x4  }
0x465: {  	v57 =	vshll.u32 v3, $0x1  }
0x466: {  	v3 =	vand.u32 $0x7, v3;
	v4 =	vand.u32 $0xFFFFFFF0, v57  }
0x467: {  	v3 =	vor.u32 v3, v4  }
0x468: {  	v4 =	vperm.xlane v3, v0;
	_ =	sdelay $0x1  }
0x469: {  	v3 =	vperm.xlane v3, v2;
	v4 =	vadd.s32 v1, v4;
	_ =	sdelay $0x1  }
0x46a: {  	v3 =	vadd.s32 v1, v3;
	_ =	sdelay $0x1  }
0x46b: {  	s15 =	simm.s32 $0x13680  }
0x46c: {  	[tilespmem:s15], [sflag:$0x2] =	stream.indirect_vreg.gather [hbm4b:s3+s2], $0x80, v4, vm0, $0xb8;
	[tilespmem:$0x1A680] =	vst v63  }
0x46d: {  	s28 =	simm.s32 $0x13E80  }
0x46e: {  	[tilespmem:s28], [sflag:$0x2] =	stream.indirect_vreg.gather [hbm4b:s3+s2], $0x80, v3, vm0, $0xb8;
	[tilespmem:$0x1A680] =	vst v63  }
0x46f: {  	v3 =	vld [tilespmem:$0x620];
	_ =	sdelay $0x4  }
0x470: {  	v58 =	vshll.u32 v3, $0x1  }
0x471: {  	v3 =	vand.u32 $0x7, v3;
	v4 =	vand.u32 $0xFFFFFFF0, v58  }
0x472: {  	v3 =	vor.u32 v3, v4  }
0x473: {  	v4 =	vperm.xlane v3, v0;
	_ =	sdelay $0x1  }
0x474: {  	v3 =	vperm.xlane v3, v2;
	v4 =	vadd.s32 v1, v4;
	_ =	sdelay $0x1  }
0x475: {  	v3 =	vadd.s32 v1, v3;
	_ =	sdelay $0x1  }
0x476: {  	s16 =	simm.s32 $0x14680  }
0x477: {  	[tilespmem:s16], [sflag:$0x2] =	stream.indirect_vreg.gather [hbm4b:s3+s2], $0x80, v4, vm0, $0xb8;
	[tilespmem:$0x1A680] =	vst v63  }
0x478: {  	s29 =	simm.s32 $0x14E80  }
0x479: {  	[tilespmem:s29], [sflag:$0x2] =	stream.indirect_vreg.gather [hbm4b:s3+s2], $0x80, v3, vm0, $0xb8;
	[tilespmem:$0x1A680] =	vst v63  }
0x47a: {  	v3 =	vld [tilespmem:$0x630];
	_ =	sdelay $0x4  }
0x47b: {  	v59 =	vshll.u32 v3, $0x1  }
0x47c: {  	v3 =	vand.u32 $0x7, v3;
	v4 =	vand.u32 $0xFFFFFFF0, v59  }
0x47d: {  	v3 =	vor.u32 v3, v4  }
0x47e: {  	v4 =	vperm.xlane v3, v0;
	_ =	sdelay $0x1  }
0x47f: {  	v3 =	vperm.xlane v3, v2;
	v4 =	vadd.s32 v1, v4;
	_ =	sdelay $0x1  }
0x480: {  	v3 =	vadd.s32 v1, v3;
	_ =	sdelay $0x1  }
0x481: {  	s17 =	simm.s32 $0x15680  }
0x482: {  	[tilespmem:s17], [sflag:$0x2] =	stream.indirect_vreg.gather [hbm4b:s3+s2], $0x80, v4, vm0, $0xb8;
	[tilespmem:$0x1A680] =	vst v63  }
0x483: {  	s30 =	simm.s32 $0x15E80  }
0x484: {  	[tilespmem:s30], [sflag:$0x2] =	stream.indirect_vreg.gather [hbm4b:s3+s2], $0x80, v3, vm0, $0xb8;
	[tilespmem:$0x1A680] =	vst v63  }
0x485: {  	v3 =	vld [tilespmem:$0x640];
	_ =	sdelay $0x4  }
0x486: {  	v60 =	vshll.u32 v3, $0x1  }
0x487: {  	v3 =	vand.u32 $0x7, v3;
	v4 =	vand.u32 $0xFFFFFFF0, v60  }
0x488: {  	v3 =	vor.u32 v3, v4  }
0x489: {  	v4 =	vperm.xlane v3, v0;
	_ =	sdelay $0x1  }
0x48a: {  	v3 =	vperm.xlane v3, v2;
	v4 =	vadd.s32 v1, v4;
	_ =	sdelay $0x1  }
0x48b: {  	v3 =	vadd.s32 v1, v3;
	_ =	sdelay $0x1  }
0x48c: {  	s18 =	simm.s32 $0x16680  }
0x48d: {  	[tilespmem:s18], [sflag:$0x2] =	stream.indirect_vreg.gather [hbm4b:s3+s2], $0x80, v4, vm0, $0xb8;
	[tilespmem:$0x1A680] =	vst v63  }
0x48e: {  	s31 =	simm.s32 $0x16E80  }
0x48f: {  	[tilespmem:s31], [sflag:$0x2] =	stream.indirect_vreg.gather [hbm4b:s3+s2], $0x80, v3, vm0, $0xb8;
	[tilespmem:$0x1A680] =	vst v63  }
0x490: {  	v3 =	vld [tilespmem:$0x650];
	_ =	sdelay $0x4  }
0x491: {  	v61 =	vshll.u32 v3, $0x1  }
0x492: {  	v3 =	vand.u32 $0x7, v3;
	v4 =	vand.u32 $0xFFFFFFF0, v61  }
0x493: {  	v3 =	vor.u32 v3, v4  }
0x494: {  	v4 =	vperm.xlane v3, v0;
	_ =	sdelay $0x1  }
0x495: {  	v3 =	vperm.xlane v3, v2;
	v4 =	vadd.s32 v1, v4;
	_ =	sdelay $0x1  }
0x496: {  	v3 =	vadd.s32 v1, v3;
	_ =	sdelay $0x1  }
0x497: {  	s19 =	simm.s32 $0x17680  }
0x498: {  	[tilespmem:s19], [sflag:$0x2] =	stream.indirect_vreg.gather [hbm4b:s3+s2], $0x80, v4, vm0, $0xb8;
	[tilespmem:$0x1A680] =	vst v63  }
0x499: {  	s26 =	simm.s32 $0x17E80  }
0x49a: {  	[tilespmem:s26], [sflag:$0x2] =	stream.indirect_vreg.gather [hbm4b:s3+s2], $0x80, v3, vm0, $0xb8;
	[tilespmem:$0x1A680] =	vst v63  }
0x49b: {  	v3 =	vld [tilespmem:$0x660];
	_ =	sdelay $0x4  }
0x49c: {  	v62 =	vshll.u32 v3, $0x1  }
0x49d: {  	v3 =	vand.u32 $0x7, v3;
	v4 =	vand.u32 $0xFFFFFFF0, v62  }
0x49e: {  	v3 =	vor.u32 v3, v4  }
0x49f: {  	v4 =	vperm.xlane v3, v0;
	_ =	sdelay $0x1  }
0x4a0: {  	v3 =	vperm.xlane v3, v2;
	v4 =	vadd.s32 v1, v4;
	_ =	sdelay $0x1  }
0x4a1: {  	v3 =	vadd.s32 v1, v3;
	_ =	sdelay $0x1  }
0x4a2: {  	s20 =	simm.s32 $0x18680  }
0x4a3: {  	[tilespmem:s20], [sflag:$0x2] =	stream.indirect_vreg.gather [hbm4b:s3+s2], $0x80, v4, vm0, $0xb8;
	[tilespmem:$0x1A680] =	vst v63  }
0x4a4: {  	s28 =	simm.s32 $0x18E80  }
0x4a5: {  	[tilespmem:s28], [sflag:$0x2] =	stream.indirect_vreg.gather [hbm4b:s3+s2], $0x80, v3, vm0, $0xb8;
	[tilespmem:$0x1A680] =	vst v63  }
0x4a6: {  	v3 =	vld [tilespmem:$0x670];
	_ =	sdelay $0x4  }
0x4a7: {  	v63 =	vshll.u32 v3, $0x1  }
0x4a8: {  	v3 =	vand.u32 $0x7, v3;
	v4 =	vand.u32 $0xFFFFFFF0, v63  }
0x4a9: {  	v3 =	vor.u32 v3, v4  }
0x4aa: {  	v4 =	vperm.xlane v3, v0;
	_ =	sdelay $0x1  }
0x4ab: {  	v3 =	vperm.xlane v3, v2;
	v4 =	vadd.s32 v1, v4;
	_ =	sdelay $0x1  }
0x4ac: {  	v3 =	vadd.s32 v1, v3;
	_ =	sdelay $0x1  }
0x4ad: {  	s21 =	simm.s32 $0x19680  }
0x4ae: {  	[tilespmem:s21], [sflag:$0x2] =	stream.indirect_vreg.gather [hbm4b:s3+s2], $0x80, v4, vm0, $0xb8;
	[tilespmem:$0x1A680] =	vst v63  }
0x4af: {  	s29 =	simm.s32 $0x19E80  }
0x4b0: {  	[tilespmem:s29], [sflag:$0x2] =	stream.indirect_vreg.gather [hbm4b:s3+s2], $0x80, v3, vm0, $0xb8;
	[tilespmem:$0x1A680] =	vst v63  }
0x4b1: {  	_ =	swait.ge [sflag:s1], $0xD000  }
0x4b2: {  	[sflag:s1] =	ssyncset.done $0x0  }
0x4b3: {  	s30 =	rddreg [dreg:$0xa];
	[sflag:s1] =	ssyncadd.s32 $0xFFFF3000  }
0x4b4: {  	[hbm4b:s30+s2] =	stream.linear.scatter [tilespmem:s0], [sflag:$0x3], $0xD000, $0x38;
	[tilespmem:$0x1A680] =	vst v63  }
0x4b5: {  	_ =	swait.ge [sflag:s7], $0xD000  }
0x4b6: {  	[sflag:s7] =	ssyncset.done $0x0  }
0x4b7: {  	s31 =	rddreg [dreg:$0xb];
	[sflag:s7] =	ssyncadd.s32 $0xFFFF3000  }
0x4b8: {  	[hbm4b:s31+s2] =	stream.linear.scatter [tilespmem:s6], [sflag:$0x4], $0xD000, $0x38;
	[tilespmem:$0x1A680] =	vst v63  }
0x4b9: {  	p0 =	sne.s32 s4, $0x1;
	_ =	swait.ge [sflag:s5], $0xD000  }
.Ltmp0:
0x4ba: {  	[sflag:s5] =	ssyncset.done $0x0;
	(pc) =	sbr.rel @p0 .LBB2_1-.Ltmp0, $4  }
0x4bb: {  	[sflag:s5] =	ssyncadd.s32 $0xFFFF3000  }
0x4bc: {  	_ =	swait.ge [sflag:s8], $0xD000  }
0x4bd: {  	[sflag:s8] =	ssyncset.done $0x0  }
0x4be: {  	s4 =	sadd.s32 $0xFFFFFFFF, s4;
	[sflag:s8] =	ssyncadd.s32 $0xFFFF3000  }
0x4bf: {  	_ =	sfence.sel $0x180000  }
0x4c0: {  	[bflag:$0x0] =	sbarrier.arrive $0xFFFF  }
0x4c1: {  	_ =	strace $0x90000047  }
0x4c2: {  	s0 =	stileid.u32;
	[bflag:$0x2] =	sbarrier.arrive $0xFFFF  }
0x4c3: {  	p0 =	sne.s32 s0, $0x0;
	s0 =	rddreg [dreg:$0x2]  }
0x4c4: {  	s0 =	sadd.s32 @!p0 $0x100000, s0  }
0x4c5: {  	[sflag:s0] =	ssyncadd.tile.s32 @!p0 $0x1;
	_ =	shalt  }
.Lfunc_end2:
_tile_overlayer_lowered:
.L_overlay_start_2:
0x4c6: {  	(tag) =	ssettag $0x2  }
0x4c7: {  	s0 =	rddreg [dreg:$0x0];
	s2 =	stileid.u32  }
0x4c8: {  	s1 =	rddreg [dreg:$0x1];
	p0 =	sne.s32 s2, $0x0  }
0x4c9: {  	s3 =	rddreg [dreg:$0x2];
	[bflag:$0x3] =	sbarrier.arrive $0xFFFF;
	s2 =	simm.s32 @!p0 $0x1C05  }
0x4ca: {  	[timem:s3], [sflag:s2] =	dma.local @!p0 [hbm:s0], s1  }
0x4cb: {  	s0 =	simm.s32 @!p0 $0x5  }
0x4cc: {  	_ =	swait.ge @!p0 [sflag:s0], s1  }
0x4cd: {  	s1 =	ssub.s32 @!p0 $0x0, s1;
	[sflag:s0] =	ssyncset.done @!p0 $0x0  }
0x4ce: {  	[sflag:s0] =	ssyncadd.s32 @!p0 s1  }
0x4cf: {  	[bflag:$0x3] =	sbarrier.arrive $0xFFFF  }
0x4d0: {  	_ =	shalt  }

</sc_bundles>
